<compile_context>
chip_gen: v7x
topology: tpu7x:2x2x1
jax: 0.10.2.dev20260603
libtpu: 0.0.44.dev20260713+nightly
codegen_flags: <defaults>
</compile_context>

<pallas_src>
import functools

import jax
import jax.numpy as jnp
from jax import lax
from jax.experimental import pallas as pl
from jax.experimental.pallas import tpu as pltpu
from jax.experimental.pallas import tpu_sc as plsc

B, S, D = 16384, 26, 128
K = 5
IDX_LO = 1
NC, NS = 2, 16
NW = NC * NS
CH = 256
CPP = B // CH
NCHUNK = K * CPP // NW
NBUF = 3
RA = NBUF - 1

_mesh = plsc.VectorSubcoreMesh(core_axis_name="c", subcore_axis_name="s")


@functools.partial(
    pl.kernel,
    mesh=_mesh,
    out_type=jax.ShapeDtypeStruct((K, B, D), jnp.float32),
    scratch_types=(
        [pltpu.VMEM((1, CH, D), jnp.float32)] * NBUF
        + [pltpu.SemaphoreType.DMA] * (2 * NBUF)
    ),
)
def _plane_copy(xt_hbm, yt_hbm, *scratch):
    wid = lax.axis_index("s") * NC + lax.axis_index("c")
    bufs = scratch[:NBUF]
    lsems = scratch[NBUF:2 * NBUF]
    ssems = scratch[2 * NBUF:]

    def coords(i):
        g = i * NW + wid
        return g // CPP, (g % CPP) * CH

    def start_load(i):
        p, r0 = coords(i)
        return pltpu.async_copy(
            xt_hbm.at[pl.ds(p + IDX_LO, 1), pl.ds(r0, CH), :],
            bufs[i % NBUF],
            lsems[i % NBUF],
        )

    def start_store(i):
        p, r0 = coords(i)
        return pltpu.async_copy(
            bufs[i % NBUF],
            yt_hbm.at[pl.ds(p, 1), pl.ds(r0, CH), :],
            ssems[i % NBUF],
        )

    loads = [None] * NCHUNK
    stores = [None] * NCHUNK
    waited = [False] * NCHUNK
    for j in range(min(RA, NCHUNK)):
        loads[j] = start_load(j)
    for i in range(NCHUNK):
        nx = i + RA
        if nx < NCHUNK:
            prev = nx - NBUF
            if prev >= 0:
                stores[prev].wait()
                waited[prev] = True
            loads[nx] = start_load(nx)
        loads[i].wait()
        stores[i] = start_store(i)
    for i in range(NCHUNK):
        if not waited[i]:
            stores[i].wait()


def kernel(x):
    xt = jnp.transpose(x, (1, 0, 2))
    yt = _plane_copy(xt)
    return jnp.transpose(yt, (1, 0, 2))

# --- scband reference (transcript-rebuilt; emitter-appended) ---
"""Pipeline reference for scband-simple-aten-index-tensor-axis1-65953517797517 (READ-ONLY COPY).

The authoritative reference and input builder live on the scoring server;
editing this copy changes nothing except your own understanding.
"""

import jax, jax.numpy as jnp
import numpy as np

IDX = jnp.array([1, 2, 3, 4, 5], dtype=jnp.int64)

def setup_inputs(seed: int = 0) -> dict:
    key = jax.random.key(seed)
    x = jax.random.normal(key, (16384, 26, 128), dtype=jnp.float32)
    return {"x": x}

def reference(x):
    # y = x[:, idx]  (gather along axis 1 with fixed index buffer)
    y = jnp.take(x, IDX, axis=1)
    return y

if __name__ == "__main__":
    import jax
    _d = setup_inputs()
    print(jax.jit(kernel)(*tuple(_d.values())))

</pallas_src>

<mosaic_0001>
#map = affine_map<(d0, d1) -> (0, 0, 0)>
module attributes {stable_mosaic.version = 14 : i64} {
  func.func @_plane_copy(%arg0: i32, %arg1: i32, %arg2: memref<26x16384x128xf32, #tpu.memory_space<hbm>>, %arg3: memref<5x16384x128xf32, #tpu.memory_space<hbm>>, %arg4: memref<1x256x128xf32, #tpu.memory_space<vmem>>, %arg5: memref<1x256x128xf32, #tpu.memory_space<vmem>>, %arg6: memref<1x256x128xf32, #tpu.memory_space<vmem>>, %arg7: memref<!tpu.dma_semaphore, #tpu.memory_space<semaphore_mem>>, %arg8: memref<!tpu.dma_semaphore, #tpu.memory_space<semaphore_mem>>, %arg9: memref<!tpu.dma_semaphore, #tpu.memory_space<semaphore_mem>>, %arg10: memref<!tpu.dma_semaphore, #tpu.memory_space<semaphore_mem>>, %arg11: memref<!tpu.dma_semaphore, #tpu.memory_space<semaphore_mem>>, %arg12: memref<!tpu.dma_semaphore, #tpu.memory_space<semaphore_mem>>) attributes {dimension_semantics = [#tpu.dimension_semantics<core_parallel>, #tpu.dimension_semantics<subcore_parallel>], iteration_bounds = array<i64: 2, 16>, scalar_prefetch = 0 : i64, scratch_operands = 9 : i64, tpu.core_type = #tpu.core_type<sc_vector_subcore>, window_params = [{transform_indices = #map}, {transform_indices = #map}]} {
    %mul3A = arith.constant 2 : i32
    %mul3A_0 = arith.muli %arg1, %mul3A : i32
    %add3A = arith.addi %mul3A_0, %arg0 : i32
    %add3A_1 = arith.constant 0 : i32
    %add3A_2 = arith.addi %add3A_1, %add3A : i32
    %jit3A = arith.constant 64 : i32
    %div3A = arith.divsi %add3A_2, %jit3A : i32
    %sign3A = arith.constant 0 : i32
    %sign3A_3 = arith.cmpi sgt, %add3A_2, %sign3A : i32
    %sign3A_4 = arith.extui %sign3A_3 : i1 to i32
    %sign3A_5 = arith.constant 0 : i32
    %sign3A_6 = arith.cmpi slt, %add3A_2, %sign3A_5 : i32
    %sign3A_7 = arith.extui %sign3A_6 : i1 to i32
    %sign3A_8 = arith.subi %sign3A_4, %sign3A_7 : i32
    %sign3A_9 = arith.constant 0 : i32
    %sign3A_10 = arith.cmpi sgt, %jit3A, %sign3A_9 : i32
    %sign3A_11 = arith.extui %sign3A_10 : i1 to i32
    %sign3A_12 = arith.constant 0 : i32
    %sign3A_13 = arith.cmpi slt, %jit3A, %sign3A_12 : i32
    %sign3A_14 = arith.extui %sign3A_13 : i1 to i32
    %sign3A_15 = arith.subi %sign3A_11, %sign3A_14 : i32
    %ne3A = arith.cmpi ne, %sign3A_8, %sign3A_15 : i32
    %rem3A = arith.remsi %add3A_2, %jit3A : i32
    %ne3A_16 = arith.constant 0 : i32
    %ne3A_17 = arith.cmpi ne, %rem3A, %ne3A_16 : i32
    %and3A = arith.andi %ne3A, %ne3A_17 : i1
    %sub3A = arith.constant 1 : i32
    %sub3A_18 = arith.subi %div3A, %sub3A : i32
    %select_n3A = arith.select %and3A, %sub3A_18, %div3A : i32
    %jit3A_19 = arith.constant 64 : i32
    %eq3A = arith.constant 0 : i32
    %eq3A_20 = arith.cmpi eq, %jit3A_19, %eq3A : i32
    %jit3A_21 = arith.constant 1 : i32
    %select_n3A_22 = arith.select %eq3A_20, %jit3A_21, %jit3A_19 : i32
    %rem3A_23 = arith.remsi %add3A_2, %select_n3A_22 : i32
    %ne3A_24 = arith.constant 0 : i32
    %ne3A_25 = arith.cmpi ne, %rem3A_23, %ne3A_24 : i32
    %lt3A = arith.constant 0 : i32
    %lt3A_26 = arith.cmpi slt, %rem3A_23, %lt3A : i32
    %lt3A_27 = arith.constant 0 : i32
    %lt3A_28 = arith.cmpi slt, %select_n3A_22, %lt3A_27 : i32
    %ne3A_29 = arith.xori %lt3A_26, %lt3A_28 : i1
    %and3A_30 = arith.andi %ne3A_29, %ne3A_25 : i1
    %add3A_31 = arith.addi %rem3A_23, %select_n3A_22 : i32
    %select_n3A_32 = arith.select %and3A_30, %add3A_31, %rem3A_23 : i32
    %mul3A_33 = arith.constant 256 : i32
    %mul3A_34 = arith.muli %select_n3A_32, %mul3A_33 : i32
    %add3A_35 = arith.constant 1 : i32
    %add3A_36 = arith.addi %select_n3A, %add3A_35 : i32
    %dma_start3A = arith.constant 0 : i32
    %dma_start3A_37 = tpu.memref_slice %arg2[%add3A_36, %mul3A_34, %dma_start3A] : memref<26x16384x128xf32, #tpu.memory_space<hbm>> -> memref<1x256x128xf32, #tpu.memory_space<hbm>>
    %dma_start3A_38 = arith.constant 0 : i32
    %dma_start3A_39 = tpu.memref_slice %arg2[%add3A_36, %mul3A_34, %dma_start3A_38] : memref<26x16384x128xf32, #tpu.memory_space<hbm>> -> memref<1x256x128xf32, #tpu.memory_space<hbm>>
    tpu.enqueue_dma source(%dma_start3A_39 : memref<1x256x128xf32, #tpu.memory_space<hbm>>) target(%arg4 : memref<1x256x128xf32, #tpu.memory_space<vmem>>) target_semaphore(%arg7 : memref<!tpu.dma_semaphore, #tpu.memory_space<semaphore_mem>>)
    %add3A_40 = arith.constant 32 : i32
    %add3A_41 = arith.addi %add3A_40, %add3A : i32
    %jit3A_42 = arith.constant 64 : i32
    %div3A_43 = arith.divsi %add3A_41, %jit3A_42 : i32
    %sign3A_44 = arith.constant 0 : i32
    %sign3A_45 = arith.cmpi sgt, %add3A_41, %sign3A_44 : i32
    %sign3A_46 = arith.extui %sign3A_45 : i1 to i32
    %sign3A_47 = arith.constant 0 : i32
    %sign3A_48 = arith.cmpi slt, %add3A_41, %sign3A_47 : i32
    %sign3A_49 = arith.extui %sign3A_48 : i1 to i32
    %sign3A_50 = arith.subi %sign3A_46, %sign3A_49 : i32
    %sign3A_51 = arith.constant 0 : i32
    %sign3A_52 = arith.cmpi sgt, %jit3A_42, %sign3A_51 : i32
    %sign3A_53 = arith.extui %sign3A_52 : i1 to i32
    %sign3A_54 = arith.constant 0 : i32
    %sign3A_55 = arith.cmpi slt, %jit3A_42, %sign3A_54 : i32
    %sign3A_56 = arith.extui %sign3A_55 : i1 to i32
    %sign3A_57 = arith.subi %sign3A_53, %sign3A_56 : i32
    %ne3A_58 = arith.cmpi ne, %sign3A_50, %sign3A_57 : i32
    %rem3A_59 = arith.remsi %add3A_41, %jit3A_42 : i32
    %ne3A_60 = arith.constant 0 : i32
    %ne3A_61 = arith.cmpi ne, %rem3A_59, %ne3A_60 : i32
    %and3A_62 = arith.andi %ne3A_58, %ne3A_61 : i1
    %sub3A_63 = arith.constant 1 : i32
    %sub3A_64 = arith.subi %div3A_43, %sub3A_63 : i32
    %select_n3A_65 = arith.select %and3A_62, %sub3A_64, %div3A_43 : i32
    %jit3A_66 = arith.constant 64 : i32
    %eq3A_67 = arith.constant 0 : i32
    %eq3A_68 = arith.cmpi eq, %jit3A_66, %eq3A_67 : i32
    %jit3A_69 = arith.constant 1 : i32
    %select_n3A_70 = arith.select %eq3A_68, %jit3A_69, %jit3A_66 : i32
    %rem3A_71 = arith.remsi %add3A_41, %select_n3A_70 : i32
    %ne3A_72 = arith.constant 0 : i32
    %ne3A_73 = arith.cmpi ne, %rem3A_71, %ne3A_72 : i32
    %lt3A_74 = arith.constant 0 : i32
    %lt3A_75 = arith.cmpi slt, %rem3A_71, %lt3A_74 : i32
    %lt3A_76 = arith.constant 0 : i32
    %lt3A_77 = arith.cmpi slt, %select_n3A_70, %lt3A_76 : i32
    %ne3A_78 = arith.xori %lt3A_75, %lt3A_77 : i1
    %and3A_79 = arith.andi %ne3A_78, %ne3A_73 : i1
    %add3A_80 = arith.addi %rem3A_71, %select_n3A_70 : i32
    %select_n3A_81 = arith.select %and3A_79, %add3A_80, %rem3A_71 : i32
    %mul3A_82 = arith.constant 256 : i32
    %mul3A_83 = arith.muli %select_n3A_81, %mul3A_82 : i32
    %add3A_84 = arith.constant 1 : i32
    %add3A_85 = arith.addi %select_n3A_65, %add3A_84 : i32
    %dma_start3A_86 = arith.constant 0 : i32
    %dma_start3A_87 = tpu.memref_slice %arg2[%add3A_85, %mul3A_83, %dma_start3A_86] : memref<26x16384x128xf32, #tpu.memory_space<hbm>> -> memref<1x256x128xf32, #tpu.memory_space<hbm>>
    %dma_start3A_88 = arith.constant 0 : i32
    %dma_start3A_89 = tpu.memref_slice %arg2[%add3A_85, %mul3A_83, %dma_start3A_88] : memref<26x16384x128xf32, #tpu.memory_space<hbm>> -> memref<1x256x128xf32, #tpu.memory_space<hbm>>
    tpu.enqueue_dma source(%dma_start3A_89 : memref<1x256x128xf32, #tpu.memory_space<hbm>>) target(%arg5 : memref<1x256x128xf32, #tpu.memory_space<vmem>>) target_semaphore(%arg8 : memref<!tpu.dma_semaphore, #tpu.memory_space<semaphore_mem>>)
    %add3A_90 = arith.constant 64 : i32
    %add3A_91 = arith.addi %add3A_90, %add3A : i32
    %jit3A_92 = arith.constant 64 : i32
    %div3A_93 = arith.divsi %add3A_91, %jit3A_92 : i32
    %sign3A_94 = arith.constant 0 : i32
    %sign3A_95 = arith.cmpi sgt, %add3A_91, %sign3A_94 : i32
    %sign3A_96 = arith.extui %sign3A_95 : i1 to i32
    %sign3A_97 = arith.constant 0 : i32
    %sign3A_98 = arith.cmpi slt, %add3A_91, %sign3A_97 : i32
    %sign3A_99 = arith.extui %sign3A_98 : i1 to i32
    %sign3A_100 = arith.subi %sign3A_96, %sign3A_99 : i32
    %sign3A_101 = arith.constant 0 : i32
    %sign3A_102 = arith.cmpi sgt, %jit3A_92, %sign3A_101 : i32
    %sign3A_103 = arith.extui %sign3A_102 : i1 to i32
    %sign3A_104 = arith.constant 0 : i32
    %sign3A_105 = arith.cmpi slt, %jit3A_92, %sign3A_104 : i32
    %sign3A_106 = arith.extui %sign3A_105 : i1 to i32
    %sign3A_107 = arith.subi %sign3A_103, %sign3A_106 : i32
    %ne3A_108 = arith.cmpi ne, %sign3A_100, %sign3A_107 : i32
    %rem3A_109 = arith.remsi %add3A_91, %jit3A_92 : i32
    %ne3A_110 = arith.constant 0 : i32
    %ne3A_111 = arith.cmpi ne, %rem3A_109, %ne3A_110 : i32
    %and3A_112 = arith.andi %ne3A_108, %ne3A_111 : i1
    %sub3A_113 = arith.constant 1 : i32
    %sub3A_114 = arith.subi %div3A_93, %sub3A_113 : i32
    %select_n3A_115 = arith.select %and3A_112, %sub3A_114, %div3A_93 : i32
    %jit3A_116 = arith.constant 64 : i32
    %eq3A_117 = arith.constant 0 : i32
    %eq3A_118 = arith.cmpi eq, %jit3A_116, %eq3A_117 : i32
    %jit3A_119 = arith.constant 1 : i32
    %select_n3A_120 = arith.select %eq3A_118, %jit3A_119, %jit3A_116 : i32
    %rem3A_121 = arith.remsi %add3A_91, %select_n3A_120 : i32
    %ne3A_122 = arith.constant 0 : i32
    %ne3A_123 = arith.cmpi ne, %rem3A_121, %ne3A_122 : i32
    %lt3A_124 = arith.constant 0 : i32
    %lt3A_125 = arith.cmpi slt, %rem3A_121, %lt3A_124 : i32
    %lt3A_126 = arith.constant 0 : i32
    %lt3A_127 = arith.cmpi slt, %select_n3A_120, %lt3A_126 : i32
    %ne3A_128 = arith.xori %lt3A_125, %lt3A_127 : i1
    %and3A_129 = arith.andi %ne3A_128, %ne3A_123 : i1
    %add3A_130 = arith.addi %rem3A_121, %select_n3A_120 : i32
    %select_n3A_131 = arith.select %and3A_129, %add3A_130, %rem3A_121 : i32
    %mul3A_132 = arith.constant 256 : i32
    %mul3A_133 = arith.muli %select_n3A_131, %mul3A_132 : i32
    %add3A_134 = arith.constant 1 : i32
    %add3A_135 = arith.addi %select_n3A_115, %add3A_134 : i32
    %dma_start3A_136 = arith.constant 0 : i32
    %dma_start3A_137 = tpu.memref_slice %arg2[%add3A_135, %mul3A_133, %dma_start3A_136] : memref<26x16384x128xf32, #tpu.memory_space<hbm>> -> memref<1x256x128xf32, #tpu.memory_space<hbm>>
    %dma_start3A_138 = arith.constant 0 : i32
    %dma_start3A_139 = tpu.memref_slice %arg2[%add3A_135, %mul3A_133, %dma_start3A_138] : memref<26x16384x128xf32, #tpu.memory_space<hbm>> -> memref<1x256x128xf32, #tpu.memory_space<hbm>>
    tpu.enqueue_dma source(%dma_start3A_139 : memref<1x256x128xf32, #tpu.memory_space<hbm>>) target(%arg6 : memref<1x256x128xf32, #tpu.memory_space<vmem>>) target_semaphore(%arg9 : memref<!tpu.dma_semaphore, #tpu.memory_space<semaphore_mem>>)
    %dma_wait3A = arith.constant 0 : i32
    %dma_wait3A_140 = tpu.memref_slice %arg2[%add3A_36, %mul3A_34, %dma_wait3A] : memref<26x16384x128xf32, #tpu.memory_space<hbm>> -> memref<1x256x128xf32, #tpu.memory_space<hbm>>
    %dma_wait3A_141 = arith.constant 0 : i32
    %dma_wait3A_142 = tpu.memref_slice %arg2[%add3A_36, %mul3A_34, %dma_wait3A_141] : memref<26x16384x128xf32, #tpu.memory_space<hbm>> -> memref<1x256x128xf32, #tpu.memory_space<hbm>>
    tpu.wait_dma2 semaphore(%arg7 : memref<!tpu.dma_semaphore, #tpu.memory_space<semaphore_mem>>) src(%dma_wait3A_142 : memref<1x256x128xf32, #tpu.memory_space<hbm>>) dst(%arg4 : memref<1x256x128xf32, #tpu.memory_space<vmem>>)
    %add3A_143 = arith.constant 0 : i32
    %add3A_144 = arith.addi %add3A_143, %add3A : i32
    %jit3A_145 = arith.constant 64 : i32
    %div3A_146 = arith.divsi %add3A_144, %jit3A_145 : i32
    %sign3A_147 = arith.constant 0 : i32
    %sign3A_148 = arith.cmpi sgt, %add3A_144, %sign3A_147 : i32
    %sign3A_149 = arith.extui %sign3A_148 : i1 to i32
    %sign3A_150 = arith.constant 0 : i32
    %sign3A_151 = arith.cmpi slt, %add3A_144, %sign3A_150 : i32
    %sign3A_152 = arith.extui %sign3A_151 : i1 to i32
    %sign3A_153 = arith.subi %sign3A_149, %sign3A_152 : i32
    %sign3A_154 = arith.constant 0 : i32
    %sign3A_155 = arith.cmpi sgt, %jit3A_145, %sign3A_154 : i32
    %sign3A_156 = arith.extui %sign3A_155 : i1 to i32
    %sign3A_157 = arith.constant 0 : i32
    %sign3A_158 = arith.cmpi slt, %jit3A_145, %sign3A_157 : i32
    %sign3A_159 = arith.extui %sign3A_158 : i1 to i32
    %sign3A_160 = arith.subi %sign3A_156, %sign3A_159 : i32
    %ne3A_161 = arith.cmpi ne, %sign3A_153, %sign3A_160 : i32
    %rem3A_162 = arith.remsi %add3A_144, %jit3A_145 : i32
    %ne3A_163 = arith.constant 0 : i32
    %ne3A_164 = arith.cmpi ne, %rem3A_162, %ne3A_163 : i32
    %and3A_165 = arith.andi %ne3A_161, %ne3A_164 : i1
    %sub3A_166 = arith.constant 1 : i32
    %sub3A_167 = arith.subi %div3A_146, %sub3A_166 : i32
    %select_n3A_168 = arith.select %and3A_165, %sub3A_167, %div3A_146 : i32
    %jit3A_169 = arith.constant 64 : i32
    %eq3A_170 = arith.constant 0 : i32
    %eq3A_171 = arith.cmpi eq, %jit3A_169, %eq3A_170 : i32
    %jit3A_172 = arith.constant 1 : i32
    %select_n3A_173 = arith.select %eq3A_171, %jit3A_172, %jit3A_169 : i32
    %rem3A_174 = arith.remsi %add3A_144, %select_n3A_173 : i32
    %ne3A_175 = arith.constant 0 : i32
    %ne3A_176 = arith.cmpi ne, %rem3A_174, %ne3A_175 : i32
    %lt3A_177 = arith.constant 0 : i32
    %lt3A_178 = arith.cmpi slt, %rem3A_174, %lt3A_177 : i32
    %lt3A_179 = arith.constant 0 : i32
    %lt3A_180 = arith.cmpi slt, %select_n3A_173, %lt3A_179 : i32
    %ne3A_181 = arith.xori %lt3A_178, %lt3A_180 : i1
    %and3A_182 = arith.andi %ne3A_181, %ne3A_176 : i1
    %add3A_183 = arith.addi %rem3A_174, %select_n3A_173 : i32
    %select_n3A_184 = arith.select %and3A_182, %add3A_183, %rem3A_174 : i32
    %mul3A_185 = arith.constant 256 : i32
    %mul3A_186 = arith.muli %select_n3A_184, %mul3A_185 : i32
    %dma_start3A_187 = arith.constant 0 : i32
    %dma_start3A_188 = tpu.memref_slice %arg3[%select_n3A_168, %mul3A_186, %dma_start3A_187] : memref<5x16384x128xf32, #tpu.memory_space<hbm>> -> memref<1x256x128xf32, #tpu.memory_space<hbm>>
    %dma_start3A_189 = arith.constant 0 : i32
    %dma_start3A_190 = tpu.memref_slice %arg3[%select_n3A_168, %mul3A_186, %dma_start3A_189] : memref<5x16384x128xf32, #tpu.memory_space<hbm>> -> memref<1x256x128xf32, #tpu.memory_space<hbm>>
    tpu.enqueue_dma source(%arg4 : memref<1x256x128xf32, #tpu.memory_space<vmem>>) target(%dma_start3A_190 : memref<1x256x128xf32, #tpu.memory_space<hbm>>) target_semaphore(%arg10 : memref<!tpu.dma_semaphore, #tpu.memory_space<semaphore_mem>>)
    %dma_wait3A_191 = arith.constant 0 : i32
    %dma_wait3A_192 = tpu.memref_slice %arg3[%select_n3A_168, %mul3A_186, %dma_wait3A_191] : memref<5x16384x128xf32, #tpu.memory_space<hbm>> -> memref<1x256x128xf32, #tpu.memory_space<hbm>>
    %dma_wait3A_193 = arith.constant 0 : i32
    %dma_wait3A_194 = tpu.memref_slice %arg3[%select_n3A_168, %mul3A_186, %dma_wait3A_193] : memref<5x16384x128xf32, #tpu.memory_space<hbm>> -> memref<1x256x128xf32, #tpu.memory_space<hbm>>
    tpu.wait_dma2 semaphore(%arg10 : memref<!tpu.dma_semaphore, #tpu.memory_space<semaphore_mem>>) src(%arg4 : memref<1x256x128xf32, #tpu.memory_space<vmem>>) dst(%dma_wait3A_194 : memref<1x256x128xf32, #tpu.memory_space<hbm>>)
    %add3A_195 = arith.constant 96 : i32
    %add3A_196 = arith.addi %add3A_195, %add3A : i32
    %jit3A_197 = arith.constant 64 : i32
    %div3A_198 = arith.divsi %add3A_196, %jit3A_197 : i32
    %sign3A_199 = arith.constant 0 : i32
    %sign3A_200 = arith.cmpi sgt, %add3A_196, %sign3A_199 : i32
    %sign3A_201 = arith.extui %sign3A_200 : i1 to i32
    %sign3A_202 = arith.constant 0 : i32
    %sign3A_203 = arith.cmpi slt, %add3A_196, %sign3A_202 : i32
    %sign3A_204 = arith.extui %sign3A_203 : i1 to i32
    %sign3A_205 = arith.subi %sign3A_201, %sign3A_204 : i32
    %sign3A_206 = arith.constant 0 : i32
    %sign3A_207 = arith.cmpi sgt, %jit3A_197, %sign3A_206 : i32
    %sign3A_208 = arith.extui %sign3A_207 : i1 to i32
    %sign3A_209 = arith.constant 0 : i32
    %sign3A_210 = arith.cmpi slt, %jit3A_197, %sign3A_209 : i32
    %sign3A_211 = arith.extui %sign3A_210 : i1 to i32
    %sign3A_212 = arith.subi %sign3A_208, %sign3A_211 : i32
    %ne3A_213 = arith.cmpi ne, %sign3A_205, %sign3A_212 : i32
    %rem3A_214 = arith.remsi %add3A_196, %jit3A_197 : i32
    %ne3A_215 = arith.constant 0 : i32
    %ne3A_216 = arith.cmpi ne, %rem3A_214, %ne3A_215 : i32
    %and3A_217 = arith.andi %ne3A_213, %ne3A_216 : i1
    %sub3A_218 = arith.constant 1 : i32
    %sub3A_219 = arith.subi %div3A_198, %sub3A_218 : i32
    %select_n3A_220 = arith.select %and3A_217, %sub3A_219, %div3A_198 : i32
    %jit3A_221 = arith.constant 64 : i32
    %eq3A_222 = arith.constant 0 : i32
    %eq3A_223 = arith.cmpi eq, %jit3A_221, %eq3A_222 : i32
    %jit3A_224 = arith.constant 1 : i32
    %select_n3A_225 = arith.select %eq3A_223, %jit3A_224, %jit3A_221 : i32
    %rem3A_226 = arith.remsi %add3A_196, %select_n3A_225 : i32
    %ne3A_227 = arith.constant 0 : i32
    %ne3A_228 = arith.cmpi ne, %rem3A_226, %ne3A_227 : i32
    %lt3A_229 = arith.constant 0 : i32
    %lt3A_230 = arith.cmpi slt, %rem3A_226, %lt3A_229 : i32
    %lt3A_231 = arith.constant 0 : i32
    %lt3A_232 = arith.cmpi slt, %select_n3A_225, %lt3A_231 : i32
    %ne3A_233 = arith.xori %lt3A_230, %lt3A_232 : i1
    %and3A_234 = arith.andi %ne3A_233, %ne3A_228 : i1
    %add3A_235 = arith.addi %rem3A_226, %select_n3A_225 : i32
    %select_n3A_236 = arith.select %and3A_234, %add3A_235, %rem3A_226 : i32
    %mul3A_237 = arith.constant 256 : i32
    %mul3A_238 = arith.muli %select_n3A_236, %mul3A_237 : i32
    %add3A_239 = arith.constant 1 : i32
    %add3A_240 = arith.addi %select_n3A_220, %add3A_239 : i32
    %dma_start3A_241 = arith.constant 0 : i32
    %dma_start3A_242 = tpu.memref_slice %arg2[%add3A_240, %mul3A_238, %dma_start3A_241] : memref<26x16384x128xf32, #tpu.memory_space<hbm>> -> memref<1x256x128xf32, #tpu.memory_space<hbm>>
    %dma_start3A_243 = arith.constant 0 : i32
    %dma_start3A_244 = tpu.memref_slice %arg2[%add3A_240, %mul3A_238, %dma_start3A_243] : memref<26x16384x128xf32, #tpu.memory_space<hbm>> -> memref<1x256x128xf32, #tpu.memory_space<hbm>>
    tpu.enqueue_dma source(%dma_start3A_244 : memref<1x256x128xf32, #tpu.memory_space<hbm>>) target(%arg4 : memref<1x256x128xf32, #tpu.memory_space<vmem>>) target_semaphore(%arg7 : memref<!tpu.dma_semaphore, #tpu.memory_space<semaphore_mem>>)
    %dma_wait3A_245 = arith.constant 0 : i32
    %dma_wait3A_246 = tpu.memref_slice %arg2[%add3A_85, %mul3A_83, %dma_wait3A_245] : memref<26x16384x128xf32, #tpu.memory_space<hbm>> -> memref<1x256x128xf32, #tpu.memory_space<hbm>>
    %dma_wait3A_247 = arith.constant 0 : i32
    %dma_wait3A_248 = tpu.memref_slice %arg2[%add3A_85, %mul3A_83, %dma_wait3A_247] : memref<26x16384x128xf32, #tpu.memory_space<hbm>> -> memref<1x256x128xf32, #tpu.memory_space<hbm>>
    tpu.wait_dma2 semaphore(%arg8 : memref<!tpu.dma_semaphore, #tpu.memory_space<semaphore_mem>>) src(%dma_wait3A_248 : memref<1x256x128xf32, #tpu.memory_space<hbm>>) dst(%arg5 : memref<1x256x128xf32, #tpu.memory_space<vmem>>)
    %add3A_249 = arith.constant 32 : i32
    %add3A_250 = arith.addi %add3A_249, %add3A : i32
    %jit3A_251 = arith.constant 64 : i32
    %div3A_252 = arith.divsi %add3A_250, %jit3A_251 : i32
    %sign3A_253 = arith.constant 0 : i32
    %sign3A_254 = arith.cmpi sgt, %add3A_250, %sign3A_253 : i32
    %sign3A_255 = arith.extui %sign3A_254 : i1 to i32
    %sign3A_256 = arith.constant 0 : i32
    %sign3A_257 = arith.cmpi slt, %add3A_250, %sign3A_256 : i32
    %sign3A_258 = arith.extui %sign3A_257 : i1 to i32
    %sign3A_259 = arith.subi %sign3A_255, %sign3A_258 : i32
    %sign3A_260 = arith.constant 0 : i32
    %sign3A_261 = arith.cmpi sgt, %jit3A_251, %sign3A_260 : i32
    %sign3A_262 = arith.extui %sign3A_261 : i1 to i32
    %sign3A_263 = arith.constant 0 : i32
    %sign3A_264 = arith.cmpi slt, %jit3A_251, %sign3A_263 : i32
    %sign3A_265 = arith.extui %sign3A_264 : i1 to i32
    %sign3A_266 = arith.subi %sign3A_262, %sign3A_265 : i32
    %ne3A_267 = arith.cmpi ne, %sign3A_259, %sign3A_266 : i32
    %rem3A_268 = arith.remsi %add3A_250, %jit3A_251 : i32
    %ne3A_269 = arith.constant 0 : i32
    %ne3A_270 = arith.cmpi ne, %rem3A_268, %ne3A_269 : i32
    %and3A_271 = arith.andi %ne3A_267, %ne3A_270 : i1
    %sub3A_272 = arith.constant 1 : i32
    %sub3A_273 = arith.subi %div3A_252, %sub3A_272 : i32
    %select_n3A_274 = arith.select %and3A_271, %sub3A_273, %div3A_252 : i32
    %jit3A_275 = arith.constant 64 : i32
    %eq3A_276 = arith.constant 0 : i32
    %eq3A_277 = arith.cmpi eq, %jit3A_275, %eq3A_276 : i32
    %jit3A_278 = arith.constant 1 : i32
    %select_n3A_279 = arith.select %eq3A_277, %jit3A_278, %jit3A_275 : i32
    %rem3A_280 = arith.remsi %add3A_250, %select_n3A_279 : i32
    %ne3A_281 = arith.constant 0 : i32
    %ne3A_282 = arith.cmpi ne, %rem3A_280, %ne3A_281 : i32
    %lt3A_283 = arith.constant 0 : i32
    %lt3A_284 = arith.cmpi slt, %rem3A_280, %lt3A_283 : i32
    %lt3A_285 = arith.constant 0 : i32
    %lt3A_286 = arith.cmpi slt, %select_n3A_279, %lt3A_285 : i32
    %ne3A_287 = arith.xori %lt3A_284, %lt3A_286 : i1
    %and3A_288 = arith.andi %ne3A_287, %ne3A_282 : i1
    %add3A_289 = arith.addi %rem3A_280, %select_n3A_279 : i32
    %select_n3A_290 = arith.select %and3A_288, %add3A_289, %rem3A_280 : i32
    %mul3A_291 = arith.constant 256 : i32
    %mul3A_292 = arith.muli %select_n3A_290, %mul3A_291 : i32
    %dma_start3A_293 = arith.constant 0 : i32
    %dma_start3A_294 = tpu.memref_slice %arg3[%select_n3A_274, %mul3A_292, %dma_start3A_293] : memref<5x16384x128xf32, #tpu.memory_space<hbm>> -> memref<1x256x128xf32, #tpu.memory_space<hbm>>
    %dma_start3A_295 = arith.constant 0 : i32
    %dma_start3A_296 = tpu.memref_slice %arg3[%select_n3A_274, %mul3A_292, %dma_start3A_295] : memref<5x16384x128xf32, #tpu.memory_space<hbm>> -> memref<1x256x128xf32, #tpu.memory_space<hbm>>
    tpu.enqueue_dma source(%arg5 : memref<1x256x128xf32, #tpu.memory_space<vmem>>) target(%dma_start3A_296 : memref<1x256x128xf32, #tpu.memory_space<hbm>>) target_semaphore(%arg11 : memref<!tpu.dma_semaphore, #tpu.memory_space<semaphore_mem>>)
    %dma_wait3A_297 = arith.constant 0 : i32
    %dma_wait3A_298 = tpu.memref_slice %arg3[%select_n3A_274, %mul3A_292, %dma_wait3A_297] : memref<5x16384x128xf32, #tpu.memory_space<hbm>> -> memref<1x256x128xf32, #tpu.memory_space<hbm>>
    %dma_wait3A_299 = arith.constant 0 : i32
    %dma_wait3A_300 = tpu.memref_slice %arg3[%select_n3A_274, %mul3A_292, %dma_wait3A_299] : memref<5x16384x128xf32, #tpu.memory_space<hbm>> -> memref<1x256x128xf32, #tpu.memory_space<hbm>>
    tpu.wait_dma2 semaphore(%arg11 : memref<!tpu.dma_semaphore, #tpu.memory_space<semaphore_mem>>) src(%arg5 : memref<1x256x128xf32, #tpu.memory_space<vmem>>) dst(%dma_wait3A_300 : memref<1x256x128xf32, #tpu.memory_space<hbm>>)
    %add3A_301 = arith.constant 128 : i32
    %add3A_302 = arith.addi %add3A_301, %add3A : i32
    %jit3A_303 = arith.constant 64 : i32
    %div3A_304 = arith.divsi %add3A_302, %jit3A_303 : i32
    %sign3A_305 = arith.constant 0 : i32
    %sign3A_306 = arith.cmpi sgt, %add3A_302, %sign3A_305 : i32
    %sign3A_307 = arith.extui %sign3A_306 : i1 to i32
    %sign3A_308 = arith.constant 0 : i32
    %sign3A_309 = arith.cmpi slt, %add3A_302, %sign3A_308 : i32
    %sign3A_310 = arith.extui %sign3A_309 : i1 to i32
    %sign3A_311 = arith.subi %sign3A_307, %sign3A_310 : i32
    %sign3A_312 = arith.constant 0 : i32
    %sign3A_313 = arith.cmpi sgt, %jit3A_303, %sign3A_312 : i32
    %sign3A_314 = arith.extui %sign3A_313 : i1 to i32
    %sign3A_315 = arith.constant 0 : i32
    %sign3A_316 = arith.cmpi slt, %jit3A_303, %sign3A_315 : i32
    %sign3A_317 = arith.extui %sign3A_316 : i1 to i32
    %sign3A_318 = arith.subi %sign3A_314, %sign3A_317 : i32
    %ne3A_319 = arith.cmpi ne, %sign3A_311, %sign3A_318 : i32
    %rem3A_320 = arith.remsi %add3A_302, %jit3A_303 : i32
    %ne3A_321 = arith.constant 0 : i32
    %ne3A_322 = arith.cmpi ne, %rem3A_320, %ne3A_321 : i32
    %and3A_323 = arith.andi %ne3A_319, %ne3A_322 : i1
    %sub3A_324 = arith.constant 1 : i32
    %sub3A_325 = arith.subi %div3A_304, %sub3A_324 : i32
    %select_n3A_326 = arith.select %and3A_323, %sub3A_325, %div3A_304 : i32
    %jit3A_327 = arith.constant 64 : i32
    %eq3A_328 = arith.constant 0 : i32
    %eq3A_329 = arith.cmpi eq, %jit3A_327, %eq3A_328 : i32
    %jit3A_330 = arith.constant 1 : i32
    %select_n3A_331 = arith.select %eq3A_329, %jit3A_330, %jit3A_327 : i32
    %rem3A_332 = arith.remsi %add3A_302, %select_n3A_331 : i32
    %ne3A_333 = arith.constant 0 : i32
    %ne3A_334 = arith.cmpi ne, %rem3A_332, %ne3A_333 : i32
    %lt3A_335 = arith.constant 0 : i32
    %lt3A_336 = arith.cmpi slt, %rem3A_332, %lt3A_335 : i32
    %lt3A_337 = arith.constant 0 : i32
    %lt3A_338 = arith.cmpi slt, %select_n3A_331, %lt3A_337 : i32
    %ne3A_339 = arith.xori %lt3A_336, %lt3A_338 : i1
    %and3A_340 = arith.andi %ne3A_339, %ne3A_334 : i1
    %add3A_341 = arith.addi %rem3A_332, %select_n3A_331 : i32
    %select_n3A_342 = arith.select %and3A_340, %add3A_341, %rem3A_332 : i32
    %mul3A_343 = arith.constant 256 : i32
    %mul3A_344 = arith.muli %select_n3A_342, %mul3A_343 : i32
    %add3A_345 = arith.constant 1 : i32
    %add3A_346 = arith.addi %select_n3A_326, %add3A_345 : i32
    %dma_start3A_347 = arith.constant 0 : i32
    %dma_start3A_348 = tpu.memref_slice %arg2[%add3A_346, %mul3A_344, %dma_start3A_347] : memref<26x16384x128xf32, #tpu.memory_space<hbm>> -> memref<1x256x128xf32, #tpu.memory_space<hbm>>
    %dma_start3A_349 = arith.constant 0 : i32
    %dma_start3A_350 = tpu.memref_slice %arg2[%add3A_346, %mul3A_344, %dma_start3A_349] : memref<26x16384x128xf32, #tpu.memory_space<hbm>> -> memref<1x256x128xf32, #tpu.memory_space<hbm>>
    tpu.enqueue_dma source(%dma_start3A_350 : memref<1x256x128xf32, #tpu.memory_space<hbm>>) target(%arg5 : memref<1x256x128xf32, #tpu.memory_space<vmem>>) target_semaphore(%arg8 : memref<!tpu.dma_semaphore, #tpu.memory_space<semaphore_mem>>)
    %dma_wait3A_351 = arith.constant 0 : i32
    %dma_wait3A_352 = tpu.memref_slice %arg2[%add3A_135, %mul3A_133, %dma_wait3A_351] : memref<26x16384x128xf32, #tpu.memory_space<hbm>> -> memref<1x256x128xf32, #tpu.memory_space<hbm>>
    %dma_wait3A_353 = arith.constant 0 : i32
    %dma_wait3A_354 = tpu.memref_slice %arg2[%add3A_135, %mul3A_133, %dma_wait3A_353] : memref<26x16384x128xf32, #tpu.memory_space<hbm>> -> memref<1x256x128xf32, #tpu.memory_space<hbm>>
    tpu.wait_dma2 semaphore(%arg9 : memref<!tpu.dma_semaphore, #tpu.memory_space<semaphore_mem>>) src(%dma_wait3A_354 : memref<1x256x128xf32, #tpu.memory_space<hbm>>) dst(%arg6 : memref<1x256x128xf32, #tpu.memory_space<vmem>>)
    %add3A_355 = arith.constant 64 : i32
    %add3A_356 = arith.addi %add3A_355, %add3A : i32
    %jit3A_357 = arith.constant 64 : i32
    %div3A_358 = arith.divsi %add3A_356, %jit3A_357 : i32
    %sign3A_359 = arith.constant 0 : i32
    %sign3A_360 = arith.cmpi sgt, %add3A_356, %sign3A_359 : i32
    %sign3A_361 = arith.extui %sign3A_360 : i1 to i32
    %sign3A_362 = arith.constant 0 : i32
    %sign3A_363 = arith.cmpi slt, %add3A_356, %sign3A_362 : i32
    %sign3A_364 = arith.extui %sign3A_363 : i1 to i32
    %sign3A_365 = arith.subi %sign3A_361, %sign3A_364 : i32
    %sign3A_366 = arith.constant 0 : i32
    %sign3A_367 = arith.cmpi sgt, %jit3A_357, %sign3A_366 : i32
    %sign3A_368 = arith.extui %sign3A_367 : i1 to i32
    %sign3A_369 = arith.constant 0 : i32
    %sign3A_370 = arith.cmpi slt, %jit3A_357, %sign3A_369 : i32
    %sign3A_371 = arith.extui %sign3A_370 : i1 to i32
    %sign3A_372 = arith.subi %sign3A_368, %sign3A_371 : i32
    %ne3A_373 = arith.cmpi ne, %sign3A_365, %sign3A_372 : i32
    %rem3A_374 = arith.remsi %add3A_356, %jit3A_357 : i32
    %ne3A_375 = arith.constant 0 : i32
    %ne3A_376 = arith.cmpi ne, %rem3A_374, %ne3A_375 : i32
    %and3A_377 = arith.andi %ne3A_373, %ne3A_376 : i1
    %sub3A_378 = arith.constant 1 : i32
    %sub3A_379 = arith.subi %div3A_358, %sub3A_378 : i32
    %select_n3A_380 = arith.select %and3A_377, %sub3A_379, %div3A_358 : i32
    %jit3A_381 = arith.constant 64 : i32
    %eq3A_382 = arith.constant 0 : i32
    %eq3A_383 = arith.cmpi eq, %jit3A_381, %eq3A_382 : i32
    %jit3A_384 = arith.constant 1 : i32
    %select_n3A_385 = arith.select %eq3A_383, %jit3A_384, %jit3A_381 : i32
    %rem3A_386 = arith.remsi %add3A_356, %select_n3A_385 : i32
    %ne3A_387 = arith.constant 0 : i32
    %ne3A_388 = arith.cmpi ne, %rem3A_386, %ne3A_387 : i32
    %lt3A_389 = arith.constant 0 : i32
    %lt3A_390 = arith.cmpi slt, %rem3A_386, %lt3A_389 : i32
    %lt3A_391 = arith.constant 0 : i32
    %lt3A_392 = arith.cmpi slt, %select_n3A_385, %lt3A_391 : i32
    %ne3A_393 = arith.xori %lt3A_390, %lt3A_392 : i1
    %and3A_394 = arith.andi %ne3A_393, %ne3A_388 : i1
    %add3A_395 = arith.addi %rem3A_386, %select_n3A_385 : i32
    %select_n3A_396 = arith.select %and3A_394, %add3A_395, %rem3A_386 : i32
    %mul3A_397 = arith.constant 256 : i32
    %mul3A_398 = arith.muli %select_n3A_396, %mul3A_397 : i32
    %dma_start3A_399 = arith.constant 0 : i32
    %dma_start3A_400 = tpu.memref_slice %arg3[%select_n3A_380, %mul3A_398, %dma_start3A_399] : memref<5x16384x128xf32, #tpu.memory_space<hbm>> -> memref<1x256x128xf32, #tpu.memory_space<hbm>>
    %dma_start3A_401 = arith.constant 0 : i32
    %dma_start3A_402 = tpu.memref_slice %arg3[%select_n3A_380, %mul3A_398, %dma_start3A_401] : memref<5x16384x128xf32, #tpu.memory_space<hbm>> -> memref<1x256x128xf32, #tpu.memory_space<hbm>>
    tpu.enqueue_dma source(%arg6 : memref<1x256x128xf32, #tpu.memory_space<vmem>>) target(%dma_start3A_402 : memref<1x256x128xf32, #tpu.memory_space<hbm>>) target_semaphore(%arg12 : memref<!tpu.dma_semaphore, #tpu.memory_space<semaphore_mem>>)
    %dma_wait3A_403 = arith.constant 0 : i32
    %dma_wait3A_404 = tpu.memref_slice %arg3[%select_n3A_380, %mul3A_398, %dma_wait3A_403] : memref<5x16384x128xf32, #tpu.memory_space<hbm>> -> memref<1x256x128xf32, #tpu.memory_space<hbm>>
    %dma_wait3A_405 = arith.constant 0 : i32
    %dma_wait3A_406 = tpu.memref_slice %arg3[%select_n3A_380, %mul3A_398, %dma_wait3A_405] : memref<5x16384x128xf32, #tpu.memory_space<hbm>> -> memref<1x256x128xf32, #tpu.memory_space<hbm>>
    tpu.wait_dma2 semaphore(%arg12 : memref<!tpu.dma_semaphore, #tpu.memory_space<semaphore_mem>>) src(%arg6 : memref<1x256x128xf32, #tpu.memory_space<vmem>>) dst(%dma_wait3A_406 : memref<1x256x128xf32, #tpu.memory_space<hbm>>)
    %add3A_407 = arith.constant 160 : i32
    %add3A_408 = arith.addi %add3A_407, %add3A : i32
    %jit3A_409 = arith.constant 64 : i32
    %div3A_410 = arith.divsi %add3A_408, %jit3A_409 : i32
    %sign3A_411 = arith.constant 0 : i32
    %sign3A_412 = arith.cmpi sgt, %add3A_408, %sign3A_411 : i32
    %sign3A_413 = arith.extui %sign3A_412 : i1 to i32
    %sign3A_414 = arith.constant 0 : i32
    %sign3A_415 = arith.cmpi slt, %add3A_408, %sign3A_414 : i32
    %sign3A_416 = arith.extui %sign3A_415 : i1 to i32
    %sign3A_417 = arith.subi %sign3A_413, %sign3A_416 : i32
    %sign3A_418 = arith.constant 0 : i32
    %sign3A_419 = arith.cmpi sgt, %jit3A_409, %sign3A_418 : i32
    %sign3A_420 = arith.extui %sign3A_419 : i1 to i32
    %sign3A_421 = arith.constant 0 : i32
    %sign3A_422 = arith.cmpi slt, %jit3A_409, %sign3A_421 : i32
    %sign3A_423 = arith.extui %sign3A_422 : i1 to i32
    %sign3A_424 = arith.subi %sign3A_420, %sign3A_423 : i32
    %ne3A_425 = arith.cmpi ne, %sign3A_417, %sign3A_424 : i32
    %rem3A_426 = arith.remsi %add3A_408, %jit3A_409 : i32
    %ne3A_427 = arith.constant 0 : i32
    %ne3A_428 = arith.cmpi ne, %rem3A_426, %ne3A_427 : i32
    %and3A_429 = arith.andi %ne3A_425, %ne3A_428 : i1
    %sub3A_430 = arith.constant 1 : i32
    %sub3A_431 = arith.subi %div3A_410, %sub3A_430 : i32
    %select_n3A_432 = arith.select %and3A_429, %sub3A_431, %div3A_410 : i32
    %jit3A_433 = arith.constant 64 : i32
    %eq3A_434 = arith.constant 0 : i32
    %eq3A_435 = arith.cmpi eq, %jit3A_433, %eq3A_434 : i32
    %jit3A_436 = arith.constant 1 : i32
    %select_n3A_437 = arith.select %eq3A_435, %jit3A_436, %jit3A_433 : i32
    %rem3A_438 = arith.remsi %add3A_408, %select_n3A_437 : i32
    %ne3A_439 = arith.constant 0 : i32
    %ne3A_440 = arith.cmpi ne, %rem3A_438, %ne3A_439 : i32
    %lt3A_441 = arith.constant 0 : i32
    %lt3A_442 = arith.cmpi slt, %rem3A_438, %lt3A_441 : i32
    %lt3A_443 = arith.constant 0 : i32
    %lt3A_444 = arith.cmpi slt, %select_n3A_437, %lt3A_443 : i32
    %ne3A_445 = arith.xori %lt3A_442, %lt3A_444 : i1
    %and3A_446 = arith.andi %ne3A_445, %ne3A_440 : i1
    %add3A_447 = arith.addi %rem3A_438, %select_n3A_437 : i32
    %select_n3A_448 = arith.select %and3A_446, %add3A_447, %rem3A_438 : i32
    %mul3A_449 = arith.constant 256 : i32
    %mul3A_450 = arith.muli %select_n3A_448, %mul3A_449 : i32
    %add3A_451 = arith.constant 1 : i32
    %add3A_452 = arith.addi %select_n3A_432, %add3A_451 : i32
    %dma_start3A_453 = arith.constant 0 : i32
    %dma_start3A_454 = tpu.memref_slice %arg2[%add3A_452, %mul3A_450, %dma_start3A_453] : memref<26x16384x128xf32, #tpu.memory_space<hbm>> -> memref<1x256x128xf32, #tpu.memory_space<hbm>>
    %dma_start3A_455 = arith.constant 0 : i32
    %dma_start3A_456 = tpu.memref_slice %arg2[%add3A_452, %mul3A_450, %dma_start3A_455] : memref<26x16384x128xf32, #tpu.memory_space<hbm>> -> memref<1x256x128xf32, #tpu.memory_space<hbm>>
    tpu.enqueue_dma source(%dma_start3A_456 : memref<1x256x128xf32, #tpu.memory_space<hbm>>) target(%arg6 : memref<1x256x128xf32, #tpu.memory_space<vmem>>) target_semaphore(%arg9 : memref<!tpu.dma_semaphore, #tpu.memory_space<semaphore_mem>>)
    %dma_wait3A_457 = arith.constant 0 : i32
    %dma_wait3A_458 = tpu.memref_slice %arg2[%add3A_240, %mul3A_238, %dma_wait3A_457] : memref<26x16384x128xf32, #tpu.memory_space<hbm>> -> memref<1x256x128xf32, #tpu.memory_space<hbm>>
    %dma_wait3A_459 = arith.constant 0 : i32
    %dma_wait3A_460 = tpu.memref_slice %arg2[%add3A_240, %mul3A_238, %dma_wait3A_459] : memref<26x16384x128xf32, #tpu.memory_space<hbm>> -> memref<1x256x128xf32, #tpu.memory_space<hbm>>
    tpu.wait_dma2 semaphore(%arg7 : memref<!tpu.dma_semaphore, #tpu.memory_space<semaphore_mem>>) src(%dma_wait3A_460 : memref<1x256x128xf32, #tpu.memory_space<hbm>>) dst(%arg4 : memref<1x256x128xf32, #tpu.memory_space<vmem>>)
    %add3A_461 = arith.constant 96 : i32
    %add3A_462 = arith.addi %add3A_461, %add3A : i32
    %jit3A_463 = arith.constant 64 : i32
    %div3A_464 = arith.divsi %add3A_462, %jit3A_463 : i32
    %sign3A_465 = arith.constant 0 : i32
    %sign3A_466 = arith.cmpi sgt, %add3A_462, %sign3A_465 : i32
    %sign3A_467 = arith.extui %sign3A_466 : i1 to i32
    %sign3A_468 = arith.constant 0 : i32
    %sign3A_469 = arith.cmpi slt, %add3A_462, %sign3A_468 : i32
    %sign3A_470 = arith.extui %sign3A_469 : i1 to i32
    %sign3A_471 = arith.subi %sign3A_467, %sign3A_470 : i32
    %sign3A_472 = arith.constant 0 : i32
    %sign3A_473 = arith.cmpi sgt, %jit3A_463, %sign3A_472 : i32
    %sign3A_474 = arith.extui %sign3A_473 : i1 to i32
    %sign3A_475 = arith.constant 0 : i32
    %sign3A_476 = arith.cmpi slt, %jit3A_463, %sign3A_475 : i32
    %sign3A_477 = arith.extui %sign3A_476 : i1 to i32
    %sign3A_478 = arith.subi %sign3A_474, %sign3A_477 : i32
    %ne3A_479 = arith.cmpi ne, %sign3A_471, %sign3A_478 : i32
    %rem3A_480 = arith.remsi %add3A_462, %jit3A_463 : i32
    %ne3A_481 = arith.constant 0 : i32
    %ne3A_482 = arith.cmpi ne, %rem3A_480, %ne3A_481 : i32
    %and3A_483 = arith.andi %ne3A_479, %ne3A_482 : i1
    %sub3A_484 = arith.constant 1 : i32
    %sub3A_485 = arith.subi %div3A_464, %sub3A_484 : i32
    %select_n3A_486 = arith.select %and3A_483, %sub3A_485, %div3A_464 : i32
    %jit3A_487 = arith.constant 64 : i32
    %eq3A_488 = arith.constant 0 : i32
    %eq3A_489 = arith.cmpi eq, %jit3A_487, %eq3A_488 : i32
    %jit3A_490 = arith.constant 1 : i32
    %select_n3A_491 = arith.select %eq3A_489, %jit3A_490, %jit3A_487 : i32
    %rem3A_492 = arith.remsi %add3A_462, %select_n3A_491 : i32
    %ne3A_493 = arith.constant 0 : i32
    %ne3A_494 = arith.cmpi ne, %rem3A_492, %ne3A_493 : i32
    %lt3A_495 = arith.constant 0 : i32
    %lt3A_496 = arith.cmpi slt, %rem3A_492, %lt3A_495 : i32
    %lt3A_497 = arith.constant 0 : i32
    %lt3A_498 = arith.cmpi slt, %select_n3A_491, %lt3A_497 : i32
    %ne3A_499 = arith.xori %lt3A_496, %lt3A_498 : i1
    %and3A_500 = arith.andi %ne3A_499, %ne3A_494 : i1
    %add3A_501 = arith.addi %rem3A_492, %select_n3A_491 : i32
    %select_n3A_502 = arith.select %and3A_500, %add3A_501, %rem3A_492 : i32
    %mul3A_503 = arith.constant 256 : i32
    %mul3A_504 = arith.muli %select_n3A_502, %mul3A_503 : i32
    %dma_start3A_505 = arith.constant 0 : i32
    %dma_start3A_506 = tpu.memref_slice %arg3[%select_n3A_486, %mul3A_504, %dma_start3A_505] : memref<5x16384x128xf32, #tpu.memory_space<hbm>> -> memref<1x256x128xf32, #tpu.memory_space<hbm>>
    %dma_start3A_507 = arith.constant 0 : i32
    %dma_start3A_508 = tpu.memref_slice %arg3[%select_n3A_486, %mul3A_504, %dma_start3A_507] : memref<5x16384x128xf32, #tpu.memory_space<hbm>> -> memref<1x256x128xf32, #tpu.memory_space<hbm>>
    tpu.enqueue_dma source(%arg4 : memref<1x256x128xf32, #tpu.memory_space<vmem>>) target(%dma_start3A_508 : memref<1x256x128xf32, #tpu.memory_space<hbm>>) target_semaphore(%arg10 : memref<!tpu.dma_semaphore, #tpu.memory_space<semaphore_mem>>)
    %dma_wait3A_509 = arith.constant 0 : i32
    %dma_wait3A_510 = tpu.memref_slice %arg3[%select_n3A_486, %mul3A_504, %dma_wait3A_509] : memref<5x16384x128xf32, #tpu.memory_space<hbm>> -> memref<1x256x128xf32, #tpu.memory_space<hbm>>
    %dma_wait3A_511 = arith.constant 0 : i32
    %dma_wait3A_512 = tpu.memref_slice %arg3[%select_n3A_486, %mul3A_504, %dma_wait3A_511] : memref<5x16384x128xf32, #tpu.memory_space<hbm>> -> memref<1x256x128xf32, #tpu.memory_space<hbm>>
    tpu.wait_dma2 semaphore(%arg10 : memref<!tpu.dma_semaphore, #tpu.memory_space<semaphore_mem>>) src(%arg4 : memref<1x256x128xf32, #tpu.memory_space<vmem>>) dst(%dma_wait3A_512 : memref<1x256x128xf32, #tpu.memory_space<hbm>>)
    %add3A_513 = arith.constant 192 : i32
    %add3A_514 = arith.addi %add3A_513, %add3A : i32
    %jit3A_515 = arith.constant 64 : i32
    %div3A_516 = arith.divsi %add3A_514, %jit3A_515 : i32
    %sign3A_517 = arith.constant 0 : i32
    %sign3A_518 = arith.cmpi sgt, %add3A_514, %sign3A_517 : i32
    %sign3A_519 = arith.extui %sign3A_518 : i1 to i32
    %sign3A_520 = arith.constant 0 : i32
    %sign3A_521 = arith.cmpi slt, %add3A_514, %sign3A_520 : i32
    %sign3A_522 = arith.extui %sign3A_521 : i1 to i32
    %sign3A_523 = arith.subi %sign3A_519, %sign3A_522 : i32
    %sign3A_524 = arith.constant 0 : i32
    %sign3A_525 = arith.cmpi sgt, %jit3A_515, %sign3A_524 : i32
    %sign3A_526 = arith.extui %sign3A_525 : i1 to i32
    %sign3A_527 = arith.constant 0 : i32
    %sign3A_528 = arith.cmpi slt, %jit3A_515, %sign3A_527 : i32
    %sign3A_529 = arith.extui %sign3A_528 : i1 to i32
    %sign3A_530 = arith.subi %sign3A_526, %sign3A_529 : i32
    %ne3A_531 = arith.cmpi ne, %sign3A_523, %sign3A_530 : i32
    %rem3A_532 = arith.remsi %add3A_514, %jit3A_515 : i32
    %ne3A_533 = arith.constant 0 : i32
    %ne3A_534 = arith.cmpi ne, %rem3A_532, %ne3A_533 : i32
    %and3A_535 = arith.andi %ne3A_531, %ne3A_534 : i1
    %sub3A_536 = arith.constant 1 : i32
    %sub3A_537 = arith.subi %div3A_516, %sub3A_536 : i32
    %select_n3A_538 = arith.select %and3A_535, %sub3A_537, %div3A_516 : i32
    %jit3A_539 = arith.constant 64 : i32
    %eq3A_540 = arith.constant 0 : i32
    %eq3A_541 = arith.cmpi eq, %jit3A_539, %eq3A_540 : i32
    %jit3A_542 = arith.constant 1 : i32
    %select_n3A_543 = arith.select %eq3A_541, %jit3A_542, %jit3A_539 : i32
    %rem3A_544 = arith.remsi %add3A_514, %select_n3A_543 : i32
    %ne3A_545 = arith.constant 0 : i32
    %ne3A_546 = arith.cmpi ne, %rem3A_544, %ne3A_545 : i32
    %lt3A_547 = arith.constant 0 : i32
    %lt3A_548 = arith.cmpi slt, %rem3A_544, %lt3A_547 : i32
    %lt3A_549 = arith.constant 0 : i32
    %lt3A_550 = arith.cmpi slt, %select_n3A_543, %lt3A_549 : i32
    %ne3A_551 = arith.xori %lt3A_548, %lt3A_550 : i1
    %and3A_552 = arith.andi %ne3A_551, %ne3A_546 : i1
    %add3A_553 = arith.addi %rem3A_544, %select_n3A_543 : i32
    %select_n3A_554 = arith.select %and3A_552, %add3A_553, %rem3A_544 : i32
    %mul3A_555 = arith.constant 256 : i32
    %mul3A_556 = arith.muli %select_n3A_554, %mul3A_555 : i32
    %add3A_557 = arith.constant 1 : i32
    %add3A_558 = arith.addi %select_n3A_538, %add3A_557 : i32
    %dma_start3A_559 = arith.constant 0 : i32
    %dma_start3A_560 = tpu.memref_slice %arg2[%add3A_558, %mul3A_556, %dma_start3A_559] : memref<26x16384x128xf32, #tpu.memory_space<hbm>> -> memref<1x256x128xf32, #tpu.memory_space<hbm>>
    %dma_start3A_561 = arith.constant 0 : i32
    %dma_start3A_562 = tpu.memref_slice %arg2[%add3A_558, %mul3A_556, %dma_start3A_561] : memref<26x16384x128xf32, #tpu.memory_space<hbm>> -> memref<1x256x128xf32, #tpu.memory_space<hbm>>
    tpu.enqueue_dma source(%dma_start3A_562 : memref<1x256x128xf32, #tpu.memory_space<hbm>>) target(%arg4 : memref<1x256x128xf32, #tpu.memory_space<vmem>>) target_semaphore(%arg7 : memref<!tpu.dma_semaphore, #tpu.memory_space<semaphore_mem>>)
    %dma_wait3A_563 = arith.constant 0 : i32
    %dma_wait3A_564 = tpu.memref_slice %arg2[%add3A_346, %mul3A_344, %dma_wait3A_563] : memref<26x16384x128xf32, #tpu.memory_space<hbm>> -> memref<1x256x128xf32, #tpu.memory_space<hbm>>
    %dma_wait3A_565 = arith.constant 0 : i32
    %dma_wait3A_566 = tpu.memref_slice %arg2[%add3A_346, %mul3A_344, %dma_wait3A_565] : memref<26x16384x128xf32, #tpu.memory_space<hbm>> -> memref<1x256x128xf32, #tpu.memory_space<hbm>>
    tpu.wait_dma2 semaphore(%arg8 : memref<!tpu.dma_semaphore, #tpu.memory_space<semaphore_mem>>) src(%dma_wait3A_566 : memref<1x256x128xf32, #tpu.memory_space<hbm>>) dst(%arg5 : memref<1x256x128xf32, #tpu.memory_space<vmem>>)
    %add3A_567 = arith.constant 128 : i32
    %add3A_568 = arith.addi %add3A_567, %add3A : i32
    %jit3A_569 = arith.constant 64 : i32
    %div3A_570 = arith.divsi %add3A_568, %jit3A_569 : i32
    %sign3A_571 = arith.constant 0 : i32
    %sign3A_572 = arith.cmpi sgt, %add3A_568, %sign3A_571 : i32
    %sign3A_573 = arith.extui %sign3A_572 : i1 to i32
    %sign3A_574 = arith.constant 0 : i32
    %sign3A_575 = arith.cmpi slt, %add3A_568, %sign3A_574 : i32
    %sign3A_576 = arith.extui %sign3A_575 : i1 to i32
    %sign3A_577 = arith.subi %sign3A_573, %sign3A_576 : i32
    %sign3A_578 = arith.constant 0 : i32
    %sign3A_579 = arith.cmpi sgt, %jit3A_569, %sign3A_578 : i32
    %sign3A_580 = arith.extui %sign3A_579 : i1 to i32
    %sign3A_581 = arith.constant 0 : i32
    %sign3A_582 = arith.cmpi slt, %jit3A_569, %sign3A_581 : i32
    %sign3A_583 = arith.extui %sign3A_582 : i1 to i32
    %sign3A_584 = arith.subi %sign3A_580, %sign3A_583 : i32
    %ne3A_585 = arith.cmpi ne, %sign3A_577, %sign3A_584 : i32
    %rem3A_586 = arith.remsi %add3A_568, %jit3A_569 : i32
    %ne3A_587 = arith.constant 0 : i32
    %ne3A_588 = arith.cmpi ne, %rem3A_586, %ne3A_587 : i32
    %and3A_589 = arith.andi %ne3A_585, %ne3A_588 : i1
    %sub3A_590 = arith.constant 1 : i32
    %sub3A_591 = arith.subi %div3A_570, %sub3A_590 : i32
    %select_n3A_592 = arith.select %and3A_589, %sub3A_591, %div3A_570 : i32
    %jit3A_593 = arith.constant 64 : i32
    %eq3A_594 = arith.constant 0 : i32
    %eq3A_595 = arith.cmpi eq, %jit3A_593, %eq3A_594 : i32
    %jit3A_596 = arith.constant 1 : i32
    %select_n3A_597 = arith.select %eq3A_595, %jit3A_596, %jit3A_593 : i32
    %rem3A_598 = arith.remsi %add3A_568, %select_n3A_597 : i32
    %ne3A_599 = arith.constant 0 : i32
    %ne3A_600 = arith.cmpi ne, %rem3A_598, %ne3A_599 : i32
    %lt3A_601 = arith.constant 0 : i32
    %lt3A_602 = arith.cmpi slt, %rem3A_598, %lt3A_601 : i32
    %lt3A_603 = arith.constant 0 : i32
    %lt3A_604 = arith.cmpi slt, %select_n3A_597, %lt3A_603 : i32
    %ne3A_605 = arith.xori %lt3A_602, %lt3A_604 : i1
    %and3A_606 = arith.andi %ne3A_605, %ne3A_600 : i1
    %add3A_607 = arith.addi %rem3A_598, %select_n3A_597 : i32
    %select_n3A_608 = arith.select %and3A_606, %add3A_607, %rem3A_598 : i32
    %mul3A_609 = arith.constant 256 : i32
    %mul3A_610 = arith.muli %select_n3A_608, %mul3A_609 : i32
    %dma_start3A_611 = arith.constant 0 : i32
    %dma_start3A_612 = tpu.memref_slice %arg3[%select_n3A_592, %mul3A_610, %dma_start3A_611] : memref<5x16384x128xf32, #tpu.memory_space<hbm>> -> memref<1x256x128xf32, #tpu.memory_space<hbm>>
    %dma_start3A_613 = arith.constant 0 : i32
    %dma_start3A_614 = tpu.memref_slice %arg3[%select_n3A_592, %mul3A_610, %dma_start3A_613] : memref<5x16384x128xf32, #tpu.memory_space<hbm>> -> memref<1x256x128xf32, #tpu.memory_space<hbm>>
    tpu.enqueue_dma source(%arg5 : memref<1x256x128xf32, #tpu.memory_space<vmem>>) target(%dma_start3A_614 : memref<1x256x128xf32, #tpu.memory_space<hbm>>) target_semaphore(%arg11 : memref<!tpu.dma_semaphore, #tpu.memory_space<semaphore_mem>>)
    %dma_wait3A_615 = arith.constant 0 : i32
    %dma_wait3A_616 = tpu.memref_slice %arg3[%select_n3A_592, %mul3A_610, %dma_wait3A_615] : memref<5x16384x128xf32, #tpu.memory_space<hbm>> -> memref<1x256x128xf32, #tpu.memory_space<hbm>>
    %dma_wait3A_617 = arith.constant 0 : i32
    %dma_wait3A_618 = tpu.memref_slice %arg3[%select_n3A_592, %mul3A_610, %dma_wait3A_617] : memref<5x16384x128xf32, #tpu.memory_space<hbm>> -> memref<1x256x128xf32, #tpu.memory_space<hbm>>
    tpu.wait_dma2 semaphore(%arg11 : memref<!tpu.dma_semaphore, #tpu.memory_space<semaphore_mem>>) src(%arg5 : memref<1x256x128xf32, #tpu.memory_space<vmem>>) dst(%dma_wait3A_618 : memref<1x256x128xf32, #tpu.memory_space<hbm>>)
    %add3A_619 = arith.constant 224 : i32
    %add3A_620 = arith.addi %add3A_619, %add3A : i32
    %jit3A_621 = arith.constant 64 : i32
    %div3A_622 = arith.divsi %add3A_620, %jit3A_621 : i32
    %sign3A_623 = arith.constant 0 : i32
    %sign3A_624 = arith.cmpi sgt, %add3A_620, %sign3A_623 : i32
    %sign3A_625 = arith.extui %sign3A_624 : i1 to i32
    %sign3A_626 = arith.constant 0 : i32
    %sign3A_627 = arith.cmpi slt, %add3A_620, %sign3A_626 : i32
    %sign3A_628 = arith.extui %sign3A_627 : i1 to i32
    %sign3A_629 = arith.subi %sign3A_625, %sign3A_628 : i32
    %sign3A_630 = arith.constant 0 : i32
    %sign3A_631 = arith.cmpi sgt, %jit3A_621, %sign3A_630 : i32
    %sign3A_632 = arith.extui %sign3A_631 : i1 to i32
    %sign3A_633 = arith.constant 0 : i32
    %sign3A_634 = arith.cmpi slt, %jit3A_621, %sign3A_633 : i32
    %sign3A_635 = arith.extui %sign3A_634 : i1 to i32
    %sign3A_636 = arith.subi %sign3A_632, %sign3A_635 : i32
    %ne3A_637 = arith.cmpi ne, %sign3A_629, %sign3A_636 : i32
    %rem3A_638 = arith.remsi %add3A_620, %jit3A_621 : i32
    %ne3A_639 = arith.constant 0 : i32
    %ne3A_640 = arith.cmpi ne, %rem3A_638, %ne3A_639 : i32
    %and3A_641 = arith.andi %ne3A_637, %ne3A_640 : i1
    %sub3A_642 = arith.constant 1 : i32
    %sub3A_643 = arith.subi %div3A_622, %sub3A_642 : i32
    %select_n3A_644 = arith.select %and3A_641, %sub3A_643, %div3A_622 : i32
    %jit3A_645 = arith.constant 64 : i32
    %eq3A_646 = arith.constant 0 : i32
    %eq3A_647 = arith.cmpi eq, %jit3A_645, %eq3A_646 : i32
    %jit3A_648 = arith.constant 1 : i32
    %select_n3A_649 = arith.select %eq3A_647, %jit3A_648, %jit3A_645 : i32
    %rem3A_650 = arith.remsi %add3A_620, %select_n3A_649 : i32
    %ne3A_651 = arith.constant 0 : i32
    %ne3A_652 = arith.cmpi ne, %rem3A_650, %ne3A_651 : i32
    %lt3A_653 = arith.constant 0 : i32
    %lt3A_654 = arith.cmpi slt, %rem3A_650, %lt3A_653 : i32
    %lt3A_655 = arith.constant 0 : i32
    %lt3A_656 = arith.cmpi slt, %select_n3A_649, %lt3A_655 : i32
    %ne3A_657 = arith.xori %lt3A_654, %lt3A_656 : i1
    %and3A_658 = arith.andi %ne3A_657, %ne3A_652 : i1
    %add3A_659 = arith.addi %rem3A_650, %select_n3A_649 : i32
    %select_n3A_660 = arith.select %and3A_658, %add3A_659, %rem3A_650 : i32
    %mul3A_661 = arith.constant 256 : i32
    %mul3A_662 = arith.muli %select_n3A_660, %mul3A_661 : i32
    %add3A_663 = arith.constant 1 : i32
    %add3A_664 = arith.addi %select_n3A_644, %add3A_663 : i32
    %dma_start3A_665 = arith.constant 0 : i32
    %dma_start3A_666 = tpu.memref_slice %arg2[%add3A_664, %mul3A_662, %dma_start3A_665] : memref<26x16384x128xf32, #tpu.memory_space<hbm>> -> memref<1x256x128xf32, #tpu.memory_space<hbm>>
    %dma_start3A_667 = arith.constant 0 : i32
    %dma_start3A_668 = tpu.memref_slice %arg2[%add3A_664, %mul3A_662, %dma_start3A_667] : memref<26x16384x128xf32, #tpu.memory_space<hbm>> -> memref<1x256x128xf32, #tpu.memory_space<hbm>>
    tpu.enqueue_dma source(%dma_start3A_668 : memref<1x256x128xf32, #tpu.memory_space<hbm>>) target(%arg5 : memref<1x256x128xf32, #tpu.memory_space<vmem>>) target_semaphore(%arg8 : memref<!tpu.dma_semaphore, #tpu.memory_space<semaphore_mem>>)
    %dma_wait3A_669 = arith.constant 0 : i32
    %dma_wait3A_670 = tpu.memref_slice %arg2[%add3A_452, %mul3A_450, %dma_wait3A_669] : memref<26x16384x128xf32, #tpu.memory_space<hbm>> -> memref<1x256x128xf32, #tpu.memory_space<hbm>>
    %dma_wait3A_671 = arith.constant 0 : i32
    %dma_wait3A_672 = tpu.memref_slice %arg2[%add3A_452, %mul3A_450, %dma_wait3A_671] : memref<26x16384x128xf32, #tpu.memory_space<hbm>> -> memref<1x256x128xf32, #tpu.memory_space<hbm>>
    tpu.wait_dma2 semaphore(%arg9 : memref<!tpu.dma_semaphore, #tpu.memory_space<semaphore_mem>>) src(%dma_wait3A_672 : memref<1x256x128xf32, #tpu.memory_space<hbm>>) dst(%arg6 : memref<1x256x128xf32, #tpu.memory_space<vmem>>)
    %add3A_673 = arith.constant 160 : i32
    %add3A_674 = arith.addi %add3A_673, %add3A : i32
    %jit3A_675 = arith.constant 64 : i32
    %div3A_676 = arith.divsi %add3A_674, %jit3A_675 : i32
    %sign3A_677 = arith.constant 0 : i32
    %sign3A_678 = arith.cmpi sgt, %add3A_674, %sign3A_677 : i32
    %sign3A_679 = arith.extui %sign3A_678 : i1 to i32
    %sign3A_680 = arith.constant 0 : i32
    %sign3A_681 = arith.cmpi slt, %add3A_674, %sign3A_680 : i32
    %sign3A_682 = arith.extui %sign3A_681 : i1 to i32
    %sign3A_683 = arith.subi %sign3A_679, %sign3A_682 : i32
    %sign3A_684 = arith.constant 0 : i32
    %sign3A_685 = arith.cmpi sgt, %jit3A_675, %sign3A_684 : i32
    %sign3A_686 = arith.extui %sign3A_685 : i1 to i32
    %sign3A_687 = arith.constant 0 : i32
    %sign3A_688 = arith.cmpi slt, %jit3A_675, %sign3A_687 : i32
    %sign3A_689 = arith.extui %sign3A_688 : i1 to i32
    %sign3A_690 = arith.subi %sign3A_686, %sign3A_689 : i32
    %ne3A_691 = arith.cmpi ne, %sign3A_683, %sign3A_690 : i32
    %rem3A_692 = arith.remsi %add3A_674, %jit3A_675 : i32
    %ne3A_693 = arith.constant 0 : i32
    %ne3A_694 = arith.cmpi ne, %rem3A_692, %ne3A_693 : i32
    %and3A_695 = arith.andi %ne3A_691, %ne3A_694 : i1
    %sub3A_696 = arith.constant 1 : i32
    %sub3A_697 = arith.subi %div3A_676, %sub3A_696 : i32
    %select_n3A_698 = arith.select %and3A_695, %sub3A_697, %div3A_676 : i32
    %jit3A_699 = arith.constant 64 : i32
    %eq3A_700 = arith.constant 0 : i32
    %eq3A_701 = arith.cmpi eq, %jit3A_699, %eq3A_700 : i32
    %jit3A_702 = arith.constant 1 : i32
    %select_n3A_703 = arith.select %eq3A_701, %jit3A_702, %jit3A_699 : i32
    %rem3A_704 = arith.remsi %add3A_674, %select_n3A_703 : i32
    %ne3A_705 = arith.constant 0 : i32
    %ne3A_706 = arith.cmpi ne, %rem3A_704, %ne3A_705 : i32
    %lt3A_707 = arith.constant 0 : i32
    %lt3A_708 = arith.cmpi slt, %rem3A_704, %lt3A_707 : i32
    %lt3A_709 = arith.constant 0 : i32
    %lt3A_710 = arith.cmpi slt, %select_n3A_703, %lt3A_709 : i32
    %ne3A_711 = arith.xori %lt3A_708, %lt3A_710 : i1
    %and3A_712 = arith.andi %ne3A_711, %ne3A_706 : i1
    %add3A_713 = arith.addi %rem3A_704, %select_n3A_703 : i32
    %select_n3A_714 = arith.select %and3A_712, %add3A_713, %rem3A_704 : i32
    %mul3A_715 = arith.constant 256 : i32
    %mul3A_716 = arith.muli %select_n3A_714, %mul3A_715 : i32
    %dma_start3A_717 = arith.constant 0 : i32
    %dma_start3A_718 = tpu.memref_slice %arg3[%select_n3A_698, %mul3A_716, %dma_start3A_717] : memref<5x16384x128xf32, #tpu.memory_space<hbm>> -> memref<1x256x128xf32, #tpu.memory_space<hbm>>
    %dma_start3A_719 = arith.constant 0 : i32
    %dma_start3A_720 = tpu.memref_slice %arg3[%select_n3A_698, %mul3A_716, %dma_start3A_719] : memref<5x16384x128xf32, #tpu.memory_space<hbm>> -> memref<1x256x128xf32, #tpu.memory_space<hbm>>
    tpu.enqueue_dma source(%arg6 : memref<1x256x128xf32, #tpu.memory_space<vmem>>) target(%dma_start3A_720 : memref<1x256x128xf32, #tpu.memory_space<hbm>>) target_semaphore(%arg12 : memref<!tpu.dma_semaphore, #tpu.memory_space<semaphore_mem>>)
    %dma_wait3A_721 = arith.constant 0 : i32
    %dma_wait3A_722 = tpu.memref_slice %arg3[%select_n3A_698, %mul3A_716, %dma_wait3A_721] : memref<5x16384x128xf32, #tpu.memory_space<hbm>> -> memref<1x256x128xf32, #tpu.memory_space<hbm>>
    %dma_wait3A_723 = arith.constant 0 : i32
    %dma_wait3A_724 = tpu.memref_slice %arg3[%select_n3A_698, %mul3A_716, %dma_wait3A_723] : memref<5x16384x128xf32, #tpu.memory_space<hbm>> -> memref<1x256x128xf32, #tpu.memory_space<hbm>>
    tpu.wait_dma2 semaphore(%arg12 : memref<!tpu.dma_semaphore, #tpu.memory_space<semaphore_mem>>) src(%arg6 : memref<1x256x128xf32, #tpu.memory_space<vmem>>) dst(%dma_wait3A_724 : memref<1x256x128xf32, #tpu.memory_space<hbm>>)
    %add3A_725 = arith.constant 256 : i32
    %add3A_726 = arith.addi %add3A_725, %add3A : i32
    %jit3A_727 = arith.constant 64 : i32
    %div3A_728 = arith.divsi %add3A_726, %jit3A_727 : i32
    %sign3A_729 = arith.constant 0 : i32
    %sign3A_730 = arith.cmpi sgt, %add3A_726, %sign3A_729 : i32
    %sign3A_731 = arith.extui %sign3A_730 : i1 to i32
    %sign3A_732 = arith.constant 0 : i32
    %sign3A_733 = arith.cmpi slt, %add3A_726, %sign3A_732 : i32
    %sign3A_734 = arith.extui %sign3A_733 : i1 to i32
    %sign3A_735 = arith.subi %sign3A_731, %sign3A_734 : i32
    %sign3A_736 = arith.constant 0 : i32
    %sign3A_737 = arith.cmpi sgt, %jit3A_727, %sign3A_736 : i32
    %sign3A_738 = arith.extui %sign3A_737 : i1 to i32
    %sign3A_739 = arith.constant 0 : i32
    %sign3A_740 = arith.cmpi slt, %jit3A_727, %sign3A_739 : i32
    %sign3A_741 = arith.extui %sign3A_740 : i1 to i32
    %sign3A_742 = arith.subi %sign3A_738, %sign3A_741 : i32
    %ne3A_743 = arith.cmpi ne, %sign3A_735, %sign3A_742 : i32
    %rem3A_744 = arith.remsi %add3A_726, %jit3A_727 : i32
    %ne3A_745 = arith.constant 0 : i32
    %ne3A_746 = arith.cmpi ne, %rem3A_744, %ne3A_745 : i32
    %and3A_747 = arith.andi %ne3A_743, %ne3A_746 : i1
    %sub3A_748 = arith.constant 1 : i32
    %sub3A_749 = arith.subi %div3A_728, %sub3A_748 : i32
    %select_n3A_750 = arith.select %and3A_747, %sub3A_749, %div3A_728 : i32
    %jit3A_751 = arith.constant 64 : i32
    %eq3A_752 = arith.constant 0 : i32
    %eq3A_753 = arith.cmpi eq, %jit3A_751, %eq3A_752 : i32
    %jit3A_754 = arith.constant 1 : i32
    %select_n3A_755 = arith.select %eq3A_753, %jit3A_754, %jit3A_751 : i32
    %rem3A_756 = arith.remsi %add3A_726, %select_n3A_755 : i32
    %ne3A_757 = arith.constant 0 : i32
    %ne3A_758 = arith.cmpi ne, %rem3A_756, %ne3A_757 : i32
    %lt3A_759 = arith.constant 0 : i32
    %lt3A_760 = arith.cmpi slt, %rem3A_756, %lt3A_759 : i32
    %lt3A_761 = arith.constant 0 : i32
    %lt3A_762 = arith.cmpi slt, %select_n3A_755, %lt3A_761 : i32
    %ne3A_763 = arith.xori %lt3A_760, %lt3A_762 : i1
    %and3A_764 = arith.andi %ne3A_763, %ne3A_758 : i1
    %add3A_765 = arith.addi %rem3A_756, %select_n3A_755 : i32
    %select_n3A_766 = arith.select %and3A_764, %add3A_765, %rem3A_756 : i32
    %mul3A_767 = arith.constant 256 : i32
    %mul3A_768 = arith.muli %select_n3A_766, %mul3A_767 : i32
    %add3A_769 = arith.constant 1 : i32
    %add3A_770 = arith.addi %select_n3A_750, %add3A_769 : i32
    %dma_start3A_771 = arith.constant 0 : i32
    %dma_start3A_772 = tpu.memref_slice %arg2[%add3A_770, %mul3A_768, %dma_start3A_771] : memref<26x16384x128xf32, #tpu.memory_space<hbm>> -> memref<1x256x128xf32, #tpu.memory_space<hbm>>
    %dma_start3A_773 = arith.constant 0 : i32
    %dma_start3A_774 = tpu.memref_slice %arg2[%add3A_770, %mul3A_768, %dma_start3A_773] : memref<26x16384x128xf32, #tpu.memory_space<hbm>> -> memref<1x256x128xf32, #tpu.memory_space<hbm>>
    tpu.enqueue_dma source(%dma_start3A_774 : memref<1x256x128xf32, #tpu.memory_space<hbm>>) target(%arg6 : memref<1x256x128xf32, #tpu.memory_space<vmem>>) target_semaphore(%arg9 : memref<!tpu.dma_semaphore, #tpu.memory_space<semaphore_mem>>)
    %dma_wait3A_775 = arith.constant 0 : i32
    %dma_wait3A_776 = tpu.memref_slice %arg2[%add3A_558, %mul3A_556, %dma_wait3A_775] : memref<26x16384x128xf32, #tpu.memory_space<hbm>> -> memref<1x256x128xf32, #tpu.memory_space<hbm>>
    %dma_wait3A_777 = arith.constant 0 : i32
    %dma_wait3A_778 = tpu.memref_slice %arg2[%add3A_558, %mul3A_556, %dma_wait3A_777] : memref<26x16384x128xf32, #tpu.memory_space<hbm>> -> memref<1x256x128xf32, #tpu.memory_space<hbm>>
    tpu.wait_dma2 semaphore(%arg7 : memref<!tpu.dma_semaphore, #tpu.memory_space<semaphore_mem>>) src(%dma_wait3A_778 : memref<1x256x128xf32, #tpu.memory_space<hbm>>) dst(%arg4 : memref<1x256x128xf32, #tpu.memory_space<vmem>>)
    %add3A_779 = arith.constant 192 : i32
    %add3A_780 = arith.addi %add3A_779, %add3A : i32
    %jit3A_781 = arith.constant 64 : i32
    %div3A_782 = arith.divsi %add3A_780, %jit3A_781 : i32
    %sign3A_783 = arith.constant 0 : i32
    %sign3A_784 = arith.cmpi sgt, %add3A_780, %sign3A_783 : i32
    %sign3A_785 = arith.extui %sign3A_784 : i1 to i32
    %sign3A_786 = arith.constant 0 : i32
    %sign3A_787 = arith.cmpi slt, %add3A_780, %sign3A_786 : i32
    %sign3A_788 = arith.extui %sign3A_787 : i1 to i32
    %sign3A_789 = arith.subi %sign3A_785, %sign3A_788 : i32
    %sign3A_790 = arith.constant 0 : i32
    %sign3A_791 = arith.cmpi sgt, %jit3A_781, %sign3A_790 : i32
    %sign3A_792 = arith.extui %sign3A_791 : i1 to i32
    %sign3A_793 = arith.constant 0 : i32
    %sign3A_794 = arith.cmpi slt, %jit3A_781, %sign3A_793 : i32
    %sign3A_795 = arith.extui %sign3A_794 : i1 to i32
    %sign3A_796 = arith.subi %sign3A_792, %sign3A_795 : i32
    %ne3A_797 = arith.cmpi ne, %sign3A_789, %sign3A_796 : i32
    %rem3A_798 = arith.remsi %add3A_780, %jit3A_781 : i32
    %ne3A_799 = arith.constant 0 : i32
    %ne3A_800 = arith.cmpi ne, %rem3A_798, %ne3A_799 : i32
    %and3A_801 = arith.andi %ne3A_797, %ne3A_800 : i1
    %sub3A_802 = arith.constant 1 : i32
    %sub3A_803 = arith.subi %div3A_782, %sub3A_802 : i32
    %select_n3A_804 = arith.select %and3A_801, %sub3A_803, %div3A_782 : i32
    %jit3A_805 = arith.constant 64 : i32
    %eq3A_806 = arith.constant 0 : i32
    %eq3A_807 = arith.cmpi eq, %jit3A_805, %eq3A_806 : i32
    %jit3A_808 = arith.constant 1 : i32
    %select_n3A_809 = arith.select %eq3A_807, %jit3A_808, %jit3A_805 : i32
    %rem3A_810 = arith.remsi %add3A_780, %select_n3A_809 : i32
    %ne3A_811 = arith.constant 0 : i32
    %ne3A_812 = arith.cmpi ne, %rem3A_810, %ne3A_811 : i32
    %lt3A_813 = arith.constant 0 : i32
    %lt3A_814 = arith.cmpi slt, %rem3A_810, %lt3A_813 : i32
    %lt3A_815 = arith.constant 0 : i32
    %lt3A_816 = arith.cmpi slt, %select_n3A_809, %lt3A_815 : i32
    %ne3A_817 = arith.xori %lt3A_814, %lt3A_816 : i1
    %and3A_818 = arith.andi %ne3A_817, %ne3A_812 : i1
    %add3A_819 = arith.addi %rem3A_810, %select_n3A_809 : i32
    %select_n3A_820 = arith.select %and3A_818, %add3A_819, %rem3A_810 : i32
    %mul3A_821 = arith.constant 256 : i32
    %mul3A_822 = arith.muli %select_n3A_820, %mul3A_821 : i32
    %dma_start3A_823 = arith.constant 0 : i32
    %dma_start3A_824 = tpu.memref_slice %arg3[%select_n3A_804, %mul3A_822, %dma_start3A_823] : memref<5x16384x128xf32, #tpu.memory_space<hbm>> -> memref<1x256x128xf32, #tpu.memory_space<hbm>>
    %dma_start3A_825 = arith.constant 0 : i32
    %dma_start3A_826 = tpu.memref_slice %arg3[%select_n3A_804, %mul3A_822, %dma_start3A_825] : memref<5x16384x128xf32, #tpu.memory_space<hbm>> -> memref<1x256x128xf32, #tpu.memory_space<hbm>>
    tpu.enqueue_dma source(%arg4 : memref<1x256x128xf32, #tpu.memory_space<vmem>>) target(%dma_start3A_826 : memref<1x256x128xf32, #tpu.memory_space<hbm>>) target_semaphore(%arg10 : memref<!tpu.dma_semaphore, #tpu.memory_space<semaphore_mem>>)
    %dma_wait3A_827 = arith.constant 0 : i32
    %dma_wait3A_828 = tpu.memref_slice %arg3[%select_n3A_804, %mul3A_822, %dma_wait3A_827] : memref<5x16384x128xf32, #tpu.memory_space<hbm>> -> memref<1x256x128xf32, #tpu.memory_space<hbm>>
    %dma_wait3A_829 = arith.constant 0 : i32
    %dma_wait3A_830 = tpu.memref_slice %arg3[%select_n3A_804, %mul3A_822, %dma_wait3A_829] : memref<5x16384x128xf32, #tpu.memory_space<hbm>> -> memref<1x256x128xf32, #tpu.memory_space<hbm>>
    tpu.wait_dma2 semaphore(%arg10 : memref<!tpu.dma_semaphore, #tpu.memory_space<semaphore_mem>>) src(%arg4 : memref<1x256x128xf32, #tpu.memory_space<vmem>>) dst(%dma_wait3A_830 : memref<1x256x128xf32, #tpu.memory_space<hbm>>)
    %add3A_831 = arith.constant 288 : i32
    %add3A_832 = arith.addi %add3A_831, %add3A : i32
    %jit3A_833 = arith.constant 64 : i32
    %div3A_834 = arith.divsi %add3A_832, %jit3A_833 : i32
    %sign3A_835 = arith.constant 0 : i32
    %sign3A_836 = arith.cmpi sgt, %add3A_832, %sign3A_835 : i32
    %sign3A_837 = arith.extui %sign3A_836 : i1 to i32
    %sign3A_838 = arith.constant 0 : i32
    %sign3A_839 = arith.cmpi slt, %add3A_832, %sign3A_838 : i32
    %sign3A_840 = arith.extui %sign3A_839 : i1 to i32
    %sign3A_841 = arith.subi %sign3A_837, %sign3A_840 : i32
    %sign3A_842 = arith.constant 0 : i32
    %sign3A_843 = arith.cmpi sgt, %jit3A_833, %sign3A_842 : i32
    %sign3A_844 = arith.extui %sign3A_843 : i1 to i32
    %sign3A_845 = arith.constant 0 : i32
    %sign3A_846 = arith.cmpi slt, %jit3A_833, %sign3A_845 : i32
    %sign3A_847 = arith.extui %sign3A_846 : i1 to i32
    %sign3A_848 = arith.subi %sign3A_844, %sign3A_847 : i32
    %ne3A_849 = arith.cmpi ne, %sign3A_841, %sign3A_848 : i32
    %rem3A_850 = arith.remsi %add3A_832, %jit3A_833 : i32
    %ne3A_851 = arith.constant 0 : i32
    %ne3A_852 = arith.cmpi ne, %rem3A_850, %ne3A_851 : i32
    %and3A_853 = arith.andi %ne3A_849, %ne3A_852 : i1
    %sub3A_854 = arith.constant 1 : i32
    %sub3A_855 = arith.subi %div3A_834, %sub3A_854 : i32
    %select_n3A_856 = arith.select %and3A_853, %sub3A_855, %div3A_834 : i32
    %jit3A_857 = arith.constant 64 : i32
    %eq3A_858 = arith.constant 0 : i32
    %eq3A_859 = arith.cmpi eq, %jit3A_857, %eq3A_858 : i32
    %jit3A_860 = arith.constant 1 : i32
    %select_n3A_861 = arith.select %eq3A_859, %jit3A_860, %jit3A_857 : i32
    %rem3A_862 = arith.remsi %add3A_832, %select_n3A_861 : i32
    %ne3A_863 = arith.constant 0 : i32
    %ne3A_864 = arith.cmpi ne, %rem3A_862, %ne3A_863 : i32
    %lt3A_865 = arith.constant 0 : i32
    %lt3A_866 = arith.cmpi slt, %rem3A_862, %lt3A_865 : i32
    %lt3A_867 = arith.constant 0 : i32
    %lt3A_868 = arith.cmpi slt, %select_n3A_861, %lt3A_867 : i32
    %ne3A_869 = arith.xori %lt3A_866, %lt3A_868 : i1
    %and3A_870 = arith.andi %ne3A_869, %ne3A_864 : i1
    %add3A_871 = arith.addi %rem3A_862, %select_n3A_861 : i32
    %select_n3A_872 = arith.select %and3A_870, %add3A_871, %rem3A_862 : i32
    %mul3A_873 = arith.constant 256 : i32
    %mul3A_874 = arith.muli %select_n3A_872, %mul3A_873 : i32
    %add3A_875 = arith.constant 1 : i32
    %add3A_876 = arith.addi %select_n3A_856, %add3A_875 : i32
    %dma_start3A_877 = arith.constant 0 : i32
    %dma_start3A_878 = tpu.memref_slice %arg2[%add3A_876, %mul3A_874, %dma_start3A_877] : memref<26x16384x128xf32, #tpu.memory_space<hbm>> -> memref<1x256x128xf32, #tpu.memory_space<hbm>>
    %dma_start3A_879 = arith.constant 0 : i32
    %dma_start3A_880 = tpu.memref_slice %arg2[%add3A_876, %mul3A_874, %dma_start3A_879] : memref<26x16384x128xf32, #tpu.memory_space<hbm>> -> memref<1x256x128xf32, #tpu.memory_space<hbm>>
    tpu.enqueue_dma source(%dma_start3A_880 : memref<1x256x128xf32, #tpu.memory_space<hbm>>) target(%arg4 : memref<1x256x128xf32, #tpu.memory_space<vmem>>) target_semaphore(%arg7 : memref<!tpu.dma_semaphore, #tpu.memory_space<semaphore_mem>>)
    %dma_wait3A_881 = arith.constant 0 : i32
    %dma_wait3A_882 = tpu.memref_slice %arg2[%add3A_664, %mul3A_662, %dma_wait3A_881] : memref<26x16384x128xf32, #tpu.memory_space<hbm>> -> memref<1x256x128xf32, #tpu.memory_space<hbm>>
    %dma_wait3A_883 = arith.constant 0 : i32
    %dma_wait3A_884 = tpu.memref_slice %arg2[%add3A_664, %mul3A_662, %dma_wait3A_883] : memref<26x16384x128xf32, #tpu.memory_space<hbm>> -> memref<1x256x128xf32, #tpu.memory_space<hbm>>
    tpu.wait_dma2 semaphore(%arg8 : memref<!tpu.dma_semaphore, #tpu.memory_space<semaphore_mem>>) src(%dma_wait3A_884 : memref<1x256x128xf32, #tpu.memory_space<hbm>>) dst(%arg5 : memref<1x256x128xf32, #tpu.memory_space<vmem>>)
    %add3A_885 = arith.constant 224 : i32
    %add3A_886 = arith.addi %add3A_885, %add3A : i32
    %jit3A_887 = arith.constant 64 : i32
    %div3A_888 = arith.divsi %add3A_886, %jit3A_887 : i32
    %sign3A_889 = arith.constant 0 : i32
    %sign3A_890 = arith.cmpi sgt, %add3A_886, %sign3A_889 : i32
    %sign3A_891 = arith.extui %sign3A_890 : i1 to i32
    %sign3A_892 = arith.constant 0 : i32
    %sign3A_893 = arith.cmpi slt, %add3A_886, %sign3A_892 : i32
    %sign3A_894 = arith.extui %sign3A_893 : i1 to i32
    %sign3A_895 = arith.subi %sign3A_891, %sign3A_894 : i32
    %sign3A_896 = arith.constant 0 : i32
    %sign3A_897 = arith.cmpi sgt, %jit3A_887, %sign3A_896 : i32
    %sign3A_898 = arith.extui %sign3A_897 : i1 to i32
    %sign3A_899 = arith.constant 0 : i32
    %sign3A_900 = arith.cmpi slt, %jit3A_887, %sign3A_899 : i32
    %sign3A_901 = arith.extui %sign3A_900 : i1 to i32
    %sign3A_902 = arith.subi %sign3A_898, %sign3A_901 : i32
    %ne3A_903 = arith.cmpi ne, %sign3A_895, %sign3A_902 : i32
    %rem3A_904 = arith.remsi %add3A_886, %jit3A_887 : i32
    %ne3A_905 = arith.constant 0 : i32
    %ne3A_906 = arith.cmpi ne, %rem3A_904, %ne3A_905 : i32
    %and3A_907 = arith.andi %ne3A_903, %ne3A_906 : i1
    %sub3A_908 = arith.constant 1 : i32
    %sub3A_909 = arith.subi %div3A_888, %sub3A_908 : i32
    %select_n3A_910 = arith.select %and3A_907, %sub3A_909, %div3A_888 : i32
    %jit3A_911 = arith.constant 64 : i32
    %eq3A_912 = arith.constant 0 : i32
    %eq3A_913 = arith.cmpi eq, %jit3A_911, %eq3A_912 : i32
    %jit3A_914 = arith.constant 1 : i32
    %select_n3A_915 = arith.select %eq3A_913, %jit3A_914, %jit3A_911 : i32
    %rem3A_916 = arith.remsi %add3A_886, %select_n3A_915 : i32
    %ne3A_917 = arith.constant 0 : i32
    %ne3A_918 = arith.cmpi ne, %rem3A_916, %ne3A_917 : i32
    %lt3A_919 = arith.constant 0 : i32
    %lt3A_920 = arith.cmpi slt, %rem3A_916, %lt3A_919 : i32
    %lt3A_921 = arith.constant 0 : i32
    %lt3A_922 = arith.cmpi slt, %select_n3A_915, %lt3A_921 : i32
    %ne3A_923 = arith.xori %lt3A_920, %lt3A_922 : i1
    %and3A_924 = arith.andi %ne3A_923, %ne3A_918 : i1
    %add3A_925 = arith.addi %rem3A_916, %select_n3A_915 : i32
    %select_n3A_926 = arith.select %and3A_924, %add3A_925, %rem3A_916 : i32
    %mul3A_927 = arith.constant 256 : i32
    %mul3A_928 = arith.muli %select_n3A_926, %mul3A_927 : i32
    %dma_start3A_929 = arith.constant 0 : i32
    %dma_start3A_930 = tpu.memref_slice %arg3[%select_n3A_910, %mul3A_928, %dma_start3A_929] : memref<5x16384x128xf32, #tpu.memory_space<hbm>> -> memref<1x256x128xf32, #tpu.memory_space<hbm>>
    %dma_start3A_931 = arith.constant 0 : i32
    %dma_start3A_932 = tpu.memref_slice %arg3[%select_n3A_910, %mul3A_928, %dma_start3A_931] : memref<5x16384x128xf32, #tpu.memory_space<hbm>> -> memref<1x256x128xf32, #tpu.memory_space<hbm>>
    tpu.enqueue_dma source(%arg5 : memref<1x256x128xf32, #tpu.memory_space<vmem>>) target(%dma_start3A_932 : memref<1x256x128xf32, #tpu.memory_space<hbm>>) target_semaphore(%arg11 : memref<!tpu.dma_semaphore, #tpu.memory_space<semaphore_mem>>)
    %dma_wait3A_933 = arith.constant 0 : i32
    %dma_wait3A_934 = tpu.memref_slice %arg2[%add3A_770, %mul3A_768, %dma_wait3A_933] : memref<26x16384x128xf32, #tpu.memory_space<hbm>> -> memref<1x256x128xf32, #tpu.memory_space<hbm>>
    %dma_wait3A_935 = arith.constant 0 : i32
    %dma_wait3A_936 = tpu.memref_slice %arg2[%add3A_770, %mul3A_768, %dma_wait3A_935] : memref<26x16384x128xf32, #tpu.memory_space<hbm>> -> memref<1x256x128xf32, #tpu.memory_space<hbm>>
    tpu.wait_dma2 semaphore(%arg9 : memref<!tpu.dma_semaphore, #tpu.memory_space<semaphore_mem>>) src(%dma_wait3A_936 : memref<1x256x128xf32, #tpu.memory_space<hbm>>) dst(%arg6 : memref<1x256x128xf32, #tpu.memory_space<vmem>>)
    %add3A_937 = arith.constant 256 : i32
    %add3A_938 = arith.addi %add3A_937, %add3A : i32
    %jit3A_939 = arith.constant 64 : i32
    %div3A_940 = arith.divsi %add3A_938, %jit3A_939 : i32
    %sign3A_941 = arith.constant 0 : i32
    %sign3A_942 = arith.cmpi sgt, %add3A_938, %sign3A_941 : i32
    %sign3A_943 = arith.extui %sign3A_942 : i1 to i32
    %sign3A_944 = arith.constant 0 : i32
    %sign3A_945 = arith.cmpi slt, %add3A_938, %sign3A_944 : i32
    %sign3A_946 = arith.extui %sign3A_945 : i1 to i32
    %sign3A_947 = arith.subi %sign3A_943, %sign3A_946 : i32
    %sign3A_948 = arith.constant 0 : i32
    %sign3A_949 = arith.cmpi sgt, %jit3A_939, %sign3A_948 : i32
    %sign3A_950 = arith.extui %sign3A_949 : i1 to i32
    %sign3A_951 = arith.constant 0 : i32
    %sign3A_952 = arith.cmpi slt, %jit3A_939, %sign3A_951 : i32
    %sign3A_953 = arith.extui %sign3A_952 : i1 to i32
    %sign3A_954 = arith.subi %sign3A_950, %sign3A_953 : i32
    %ne3A_955 = arith.cmpi ne, %sign3A_947, %sign3A_954 : i32
    %rem3A_956 = arith.remsi %add3A_938, %jit3A_939 : i32
    %ne3A_957 = arith.constant 0 : i32
    %ne3A_958 = arith.cmpi ne, %rem3A_956, %ne3A_957 : i32
    %and3A_959 = arith.andi %ne3A_955, %ne3A_958 : i1
    %sub3A_960 = arith.constant 1 : i32
    %sub3A_961 = arith.subi %div3A_940, %sub3A_960 : i32
    %select_n3A_962 = arith.select %and3A_959, %sub3A_961, %div3A_940 : i32
    %jit3A_963 = arith.constant 64 : i32
    %eq3A_964 = arith.constant 0 : i32
    %eq3A_965 = arith.cmpi eq, %jit3A_963, %eq3A_964 : i32
    %jit3A_966 = arith.constant 1 : i32
    %select_n3A_967 = arith.select %eq3A_965, %jit3A_966, %jit3A_963 : i32
    %rem3A_968 = arith.remsi %add3A_938, %select_n3A_967 : i32
    %ne3A_969 = arith.constant 0 : i32
    %ne3A_970 = arith.cmpi ne, %rem3A_968, %ne3A_969 : i32
    %lt3A_971 = arith.constant 0 : i32
    %lt3A_972 = arith.cmpi slt, %rem3A_968, %lt3A_971 : i32
    %lt3A_973 = arith.constant 0 : i32
    %lt3A_974 = arith.cmpi slt, %select_n3A_967, %lt3A_973 : i32
    %ne3A_975 = arith.xori %lt3A_972, %lt3A_974 : i1
    %and3A_976 = arith.andi %ne3A_975, %ne3A_970 : i1
    %add3A_977 = arith.addi %rem3A_968, %select_n3A_967 : i32
    %select_n3A_978 = arith.select %and3A_976, %add3A_977, %rem3A_968 : i32
    %mul3A_979 = arith.constant 256 : i32
    %mul3A_980 = arith.muli %select_n3A_978, %mul3A_979 : i32
    %dma_start3A_981 = arith.constant 0 : i32
    %dma_start3A_982 = tpu.memref_slice %arg3[%select_n3A_962, %mul3A_980, %dma_start3A_981] : memref<5x16384x128xf32, #tpu.memory_space<hbm>> -> memref<1x256x128xf32, #tpu.memory_space<hbm>>
    %dma_start3A_983 = arith.constant 0 : i32
    %dma_start3A_984 = tpu.memref_slice %arg3[%select_n3A_962, %mul3A_980, %dma_start3A_983] : memref<5x16384x128xf32, #tpu.memory_space<hbm>> -> memref<1x256x128xf32, #tpu.memory_space<hbm>>
    tpu.enqueue_dma source(%arg6 : memref<1x256x128xf32, #tpu.memory_space<vmem>>) target(%dma_start3A_984 : memref<1x256x128xf32, #tpu.memory_space<hbm>>) target_semaphore(%arg12 : memref<!tpu.dma_semaphore, #tpu.memory_space<semaphore_mem>>)
    %dma_wait3A_985 = arith.constant 0 : i32
    %dma_wait3A_986 = tpu.memref_slice %arg2[%add3A_876, %mul3A_874, %dma_wait3A_985] : memref<26x16384x128xf32, #tpu.memory_space<hbm>> -> memref<1x256x128xf32, #tpu.memory_space<hbm>>
    %dma_wait3A_987 = arith.constant 0 : i32
    %dma_wait3A_988 = tpu.memref_slice %arg2[%add3A_876, %mul3A_874, %dma_wait3A_987] : memref<26x16384x128xf32, #tpu.memory_space<hbm>> -> memref<1x256x128xf32, #tpu.memory_space<hbm>>
    tpu.wait_dma2 semaphore(%arg7 : memref<!tpu.dma_semaphore, #tpu.memory_space<semaphore_mem>>) src(%dma_wait3A_988 : memref<1x256x128xf32, #tpu.memory_space<hbm>>) dst(%arg4 : memref<1x256x128xf32, #tpu.memory_space<vmem>>)
    %add3A_989 = arith.constant 288 : i32
    %add3A_990 = arith.addi %add3A_989, %add3A : i32
    %jit3A_991 = arith.constant 64 : i32
    %div3A_992 = arith.divsi %add3A_990, %jit3A_991 : i32
    %sign3A_993 = arith.constant 0 : i32
    %sign3A_994 = arith.cmpi sgt, %add3A_990, %sign3A_993 : i32
    %sign3A_995 = arith.extui %sign3A_994 : i1 to i32
    %sign3A_996 = arith.constant 0 : i32
    %sign3A_997 = arith.cmpi slt, %add3A_990, %sign3A_996 : i32
    %sign3A_998 = arith.extui %sign3A_997 : i1 to i32
    %sign3A_999 = arith.subi %sign3A_995, %sign3A_998 : i32
    %sign3A_1000 = arith.constant 0 : i32
    %sign3A_1001 = arith.cmpi sgt, %jit3A_991, %sign3A_1000 : i32
    %sign3A_1002 = arith.extui %sign3A_1001 : i1 to i32
    %sign3A_1003 = arith.constant 0 : i32
    %sign3A_1004 = arith.cmpi slt, %jit3A_991, %sign3A_1003 : i32
    %sign3A_1005 = arith.extui %sign3A_1004 : i1 to i32
    %sign3A_1006 = arith.subi %sign3A_1002, %sign3A_1005 : i32
    %ne3A_1007 = arith.cmpi ne, %sign3A_999, %sign3A_1006 : i32
    %rem3A_1008 = arith.remsi %add3A_990, %jit3A_991 : i32
    %ne3A_1009 = arith.constant 0 : i32
    %ne3A_1010 = arith.cmpi ne, %rem3A_1008, %ne3A_1009 : i32
    %and3A_1011 = arith.andi %ne3A_1007, %ne3A_1010 : i1
    %sub3A_1012 = arith.constant 1 : i32
    %sub3A_1013 = arith.subi %div3A_992, %sub3A_1012 : i32
    %select_n3A_1014 = arith.select %and3A_1011, %sub3A_1013, %div3A_992 : i32
    %jit3A_1015 = arith.constant 64 : i32
    %eq3A_1016 = arith.constant 0 : i32
    %eq3A_1017 = arith.cmpi eq, %jit3A_1015, %eq3A_1016 : i32
    %jit3A_1018 = arith.constant 1 : i32
    %select_n3A_1019 = arith.select %eq3A_1017, %jit3A_1018, %jit3A_1015 : i32
    %rem3A_1020 = arith.remsi %add3A_990, %select_n3A_1019 : i32
    %ne3A_1021 = arith.constant 0 : i32
    %ne3A_1022 = arith.cmpi ne, %rem3A_1020, %ne3A_1021 : i32
    %lt3A_1023 = arith.constant 0 : i32
    %lt3A_1024 = arith.cmpi slt, %rem3A_1020, %lt3A_1023 : i32
    %lt3A_1025 = arith.constant 0 : i32
    %lt3A_1026 = arith.cmpi slt, %select_n3A_1019, %lt3A_1025 : i32
    %ne3A_1027 = arith.xori %lt3A_1024, %lt3A_1026 : i1
    %and3A_1028 = arith.andi %ne3A_1027, %ne3A_1022 : i1
    %add3A_1029 = arith.addi %rem3A_1020, %select_n3A_1019 : i32
    %select_n3A_1030 = arith.select %and3A_1028, %add3A_1029, %rem3A_1020 : i32
    %mul3A_1031 = arith.constant 256 : i32
    %mul3A_1032 = arith.muli %select_n3A_1030, %mul3A_1031 : i32
    %dma_start3A_1033 = arith.constant 0 : i32
    %dma_start3A_1034 = tpu.memref_slice %arg3[%select_n3A_1014, %mul3A_1032, %dma_start3A_1033] : memref<5x16384x128xf32, #tpu.memory_space<hbm>> -> memref<1x256x128xf32, #tpu.memory_space<hbm>>
    %dma_start3A_1035 = arith.constant 0 : i32
    %dma_start3A_1036 = tpu.memref_slice %arg3[%select_n3A_1014, %mul3A_1032, %dma_start3A_1035] : memref<5x16384x128xf32, #tpu.memory_space<hbm>> -> memref<1x256x128xf32, #tpu.memory_space<hbm>>
    tpu.enqueue_dma source(%arg4 : memref<1x256x128xf32, #tpu.memory_space<vmem>>) target(%dma_start3A_1036 : memref<1x256x128xf32, #tpu.memory_space<hbm>>) target_semaphore(%arg10 : memref<!tpu.dma_semaphore, #tpu.memory_space<semaphore_mem>>)
    %dma_wait3A_1037 = arith.constant 0 : i32
    %dma_wait3A_1038 = tpu.memref_slice %arg3[%select_n3A_910, %mul3A_928, %dma_wait3A_1037] : memref<5x16384x128xf32, #tpu.memory_space<hbm>> -> memref<1x256x128xf32, #tpu.memory_space<hbm>>
    %dma_wait3A_1039 = arith.constant 0 : i32
    %dma_wait3A_1040 = tpu.memref_slice %arg3[%select_n3A_910, %mul3A_928, %dma_wait3A_1039] : memref<5x16384x128xf32, #tpu.memory_space<hbm>> -> memref<1x256x128xf32, #tpu.memory_space<hbm>>
    tpu.wait_dma2 semaphore(%arg11 : memref<!tpu.dma_semaphore, #tpu.memory_space<semaphore_mem>>) src(%arg5 : memref<1x256x128xf32, #tpu.memory_space<vmem>>) dst(%dma_wait3A_1040 : memref<1x256x128xf32, #tpu.memory_space<hbm>>)
    %dma_wait3A_1041 = arith.constant 0 : i32
    %dma_wait3A_1042 = tpu.memref_slice %arg3[%select_n3A_962, %mul3A_980, %dma_wait3A_1041] : memref<5x16384x128xf32, #tpu.memory_space<hbm>> -> memref<1x256x128xf32, #tpu.memory_space<hbm>>
    %dma_wait3A_1043 = arith.constant 0 : i32
    %dma_wait3A_1044 = tpu.memref_slice %arg3[%select_n3A_962, %mul3A_980, %dma_wait3A_1043] : memref<5x16384x128xf32, #tpu.memory_space<hbm>> -> memref<1x256x128xf32, #tpu.memory_space<hbm>>
    tpu.wait_dma2 semaphore(%arg12 : memref<!tpu.dma_semaphore, #tpu.memory_space<semaphore_mem>>) src(%arg6 : memref<1x256x128xf32, #tpu.memory_space<vmem>>) dst(%dma_wait3A_1044 : memref<1x256x128xf32, #tpu.memory_space<hbm>>)
    %dma_wait3A_1045 = arith.constant 0 : i32
    %dma_wait3A_1046 = tpu.memref_slice %arg3[%select_n3A_1014, %mul3A_1032, %dma_wait3A_1045] : memref<5x16384x128xf32, #tpu.memory_space<hbm>> -> memref<1x256x128xf32, #tpu.memory_space<hbm>>
    %dma_wait3A_1047 = arith.constant 0 : i32
    %dma_wait3A_1048 = tpu.memref_slice %arg3[%select_n3A_1014, %mul3A_1032, %dma_wait3A_1047] : memref<5x16384x128xf32, #tpu.memory_space<hbm>> -> memref<1x256x128xf32, #tpu.memory_space<hbm>>
    tpu.wait_dma2 semaphore(%arg10 : memref<!tpu.dma_semaphore, #tpu.memory_space<semaphore_mem>>) src(%arg4 : memref<1x256x128xf32, #tpu.memory_space<vmem>>) dst(%dma_wait3A_1048 : memref<1x256x128xf32, #tpu.memory_space<hbm>>)
    return
  }
}

</mosaic_0001>

<sc_bundles>
// kernel: kernel.3.cloned.1.call-start
scs
__scs_entry_jumppad:
0x0: {  	(pc) =	sbr.rel $0x88, $3  }
0x1: {  	(tag) =	ssettag $0x0;
	lr =	simm.s32 $0x1  }
0x2: {  	[smem:$0x3FA0] =	sst lr;
	_ =	strace $0xD0000000  }
0x3: {  	_ = 	snop  }
0x4: {  	_ = 	snop  }
0x5: {  	_ = 	snop  }
0x6: {  	_ = 	snop  }
0x7: {  	_ = 	snop  }
__scs_overlays_trampoline_lowered:
0x8: {  	[smem:$0x3FAF] =	sst s0  }
0x9: {  	[smem:$0x3FB0] =	sst s1  }
0xa: {  	[smem:$0x3FB1] =	sst s2  }
0xb: {  	[smem:$0x3FB2] =	sst s3  }
0xc: {  	[smem:$0x3FB3] =	sst s4  }
0xd: {  	[smem:$0x3FB4] =	sst s5  }
0xe: {  	[smem:$0x3FB5] =	sst s6  }
0xf: {  	[smem:$0x3FB6] =	sst s7  }
0x10: {  	[smem:$0x3FB7] =	sst s8  }
0x11: {  	[smem:$0x3FB8] =	sst s9;
	s0 =	simm.s32 @!p0 $0x0  }
0x12: {  	s1 =	sld [smem:$0x3F9E];
	s0 =	simm.s32 @p0 $0x1  }
0x13: {  	[smem:$0x3FB9] =	sst s0;
	s0 =	simm.s32 @!p1 $0x0  }
0x14: {  	s2 =	sld [smem:$0x3F9D];
	s0 =	simm.s32 @p1 $0x1  }
0x15: {  	[smem:$0x3FBA] =	sst s0;
	s0 =	simm.s32 @!p2 $0x0  }
0x16: {  	s3 =	sld [smem:$0x3FDB];
	s0 =	simm.s32 @p2 $0x1  }
0x17: {  	s4 =	simm.s32 $0x1BF5;
	[smem:$0x3FBC] =	sst s0  }
0x18: {  	s0 =	sld [smem:$0x3F9F];
	_ =	swait.ge [sflag:s4], $0x0  }
0x19: {  	s7 =	sld [smem:$0x3FA0]  }
0x1a: {  	s8 =	sadd.s32 $0xFFFFE003, lr  }
0x1b: {  	s9 =	sadd.s32 $0xFFFFFEF7, lr;
	s5 =	simm.s32 $0xFFFFFFFF;
	p2 =	slt.u32 s8, $0xFFFFF086  }
0x1c: {  	p1 =	slt.u32 s9, $0xF7A;
	s5 =	simm.s32 @!p2 $0x0  }
0x1d: {  	s5 =	simm.s32 @p1 $0x1;
	p0 =	seq.s32 s7, s2  }
0x1e: {  	s7 =	smul.u32 @!p0 $0xF7A, s2;
	p2 =	seq.s32 @!p0 s5, $0x0  }
0x1f: {  	s9 =	smul.u32 $0xF7A, s1;
	s8 =	simm.s32 @!p0 $0x1BF5;
	p2 =	por !p2, p0  }
0x20: {  	[sflag:s8] =	ssyncset.s32 @!p0 $0xFFFFF086;
	s6 =	sadd.s32 @!p0 s3, s7;
	s7 =	simm.s32 @!p0 $0x108  }
0x21: {  	s3 =	sadd.s32 s3, s9;
	s6 =	sadd.s32 @!p0 $0x88, s6;
	s7 =	simm.s32 @p2 $0x1082  }
0x22: {  	[simem:s7], [sflag:s8] =	dma.local @!p0 [hbm:s6], $0xF7A  }
0x23: {  	s9 =	sor.u32 $0xD0000000, s2;
	s6 =	simm.s32 $0x108;
	_ =	swait.ge @!p0 [sflag:s8], $0x0  }
0x24: {  	s3 =	sadd.s32 $0x88, s3;
	s6 =	simm.s32 @!p1 $0x1082;
	[sflag:s4] =	ssyncset.s32 $0xFFFFF086  }
0x25: {  	[simem:s6], [sflag:s4] =	dma.local [hbm:s3], $0xF7A  }
0x26: {  	[smem:$0x3FA0] =	sst s1;
	(tag) =	ssettag s2;
	_ =	strace s9  }
0x27: {  	s1 =	sld [smem:$0x3FB0]  }
0x28: {  	s2 =	sld [smem:$0x3FB1]  }
0x29: {  	s4 =	sld [smem:$0x3FB3]  }
0x2a: {  	p0 =	seq.s32 s5, $0x0;
	s5 =	sld [smem:$0x3FB4]  }
0x2b: {  	s6 =	sld [smem:$0x3FB5]  }
0x2c: {  	s7 =	sld [smem:$0x3FB6]  }
0x2d: {  	s3 =	simm.s32 $0x108;
	s8 =	sld [smem:$0x3FB7]  }
0x2e: {  	s3 =	simm.s32 @!p0 $0x1082;
	s9 =	sld [smem:$0x3FB8]  }
0x2f: {  	lr =	sadd.s32 s0, s3;
	s0 =	sld [smem:$0x3FAF]  }
0x30: {  	s3 =	sld [smem:$0x3FB2]  }
0x31: {  	[smem:$0x3FBB] =	sst s10  }
0x32: {  	s10 =	sld [smem:$0x3FB9];
	_ =	sdelay $0x3  }
0x33: {  	p0 =	seq.s32 s10, $0x1;
	s10 =	sld [smem:$0x3FBB];
	_ =	sdelay $0x3  }
0x34: {  	[smem:$0x3FBB] =	sst s10  }
0x35: {  	s10 =	sld [smem:$0x3FBA];
	_ =	sdelay $0x3  }
0x36: {  	p1 =	seq.s32 s10, $0x1;
	s10 =	sld [smem:$0x3FBB];
	_ =	sdelay $0x3  }
0x37: {  	[smem:$0x3FBB] =	sst s10  }
0x38: {  	s10 =	sld [smem:$0x3FBC]  }
0x39: {  	_ = 	snop;
	(pc) =	sbr.ind lr, $3  }
0x3a: {  	_ = 	snop  }
0x3b: {  	_ = 	snop  }
0x3c: {  	p2 =	seq.s32 s10, $0x1;
	s10 =	sld [smem:$0x3FBB]  }
0x3d: {  	_ =	shalt  }
0x3e: {  	_ =	shalt  }
0x3f: {  	_ =	shalt  }
0x40: {  	_ =	shalt  }
0x41: {  	_ =	shalt  }
0x42: {  	_ =	shalt  }
0x43: {  	_ =	shalt  }
0x44: {  	_ =	shalt  }
0x45: {  	_ =	shalt  }
0x46: {  	_ =	shalt  }
0x47: {  	_ =	shalt  }
0x48: {  	_ =	shalt  }
0x49: {  	_ =	shalt  }
0x4a: {  	_ =	shalt  }
0x4b: {  	_ =	shalt  }
0x4c: {  	_ =	shalt  }
0x4d: {  	_ =	shalt  }
0x4e: {  	_ =	shalt  }
0x4f: {  	_ =	shalt  }
0x50: {  	_ =	shalt  }
0x51: {  	_ =	shalt  }
0x52: {  	_ =	shalt  }
0x53: {  	_ =	shalt  }
0x54: {  	_ =	shalt  }
0x55: {  	_ =	shalt  }
0x56: {  	_ =	shalt  }
0x57: {  	_ =	shalt  }
0x58: {  	_ =	shalt  }
0x59: {  	_ =	shalt  }
0x5a: {  	_ =	shalt  }
0x5b: {  	_ =	shalt  }
0x5c: {  	_ =	shalt  }
0x5d: {  	_ =	shalt  }
0x5e: {  	_ =	shalt  }
0x5f: {  	_ =	shalt  }
0x60: {  	_ =	shalt  }
0x61: {  	_ =	shalt  }
0x62: {  	_ =	shalt  }
0x63: {  	_ =	shalt  }
0x64: {  	_ =	shalt  }
0x65: {  	_ =	shalt  }
0x66: {  	_ =	shalt  }
0x67: {  	_ =	shalt  }
0x68: {  	_ =	shalt  }
0x69: {  	_ =	shalt  }
0x6a: {  	_ =	shalt  }
0x6b: {  	_ =	shalt  }
0x6c: {  	_ =	shalt  }
0x6d: {  	_ =	shalt  }
0x6e: {  	_ =	shalt  }
0x6f: {  	_ =	shalt  }
0x70: {  	_ =	shalt  }
0x71: {  	_ =	shalt  }
0x72: {  	_ =	shalt  }
0x73: {  	_ =	shalt  }
0x74: {  	_ =	shalt  }
0x75: {  	_ =	shalt  }
0x76: {  	_ =	shalt  }
0x77: {  	_ =	shalt  }
0x78: {  	_ =	shalt  }
0x79: {  	_ =	shalt  }
0x7a: {  	_ =	shalt  }
0x7b: {  	_ =	shalt  }
0x7c: {  	_ =	shalt  }
0x7d: {  	_ =	shalt  }
0x7e: {  	_ =	shalt  }
0x7f: {  	_ =	shalt  }
0x80: {  	_ =	shalt  }
0x81: {  	_ =	shalt  }
0x82: {  	_ =	shalt  }
0x83: {  	_ =	shalt  }
0x84: {  	_ =	shalt  }
0x85: {  	_ =	shalt  }
0x86: {  	_ =	shalt  }
0x87: {  	_ =	shalt  }
.Lfunc_end0:
.L_simem_size_0:
called_computation_lowered:
.L_overlay_start_0:
0x88: {  	s2 =	sld [smem:$0x3FD9]  }
0x89: {  	s3 =	sld [smem:$0x3FFE];
	_ =	sdelay $0x1  }
0x8a: {  	s1 =	srdreg.scid  }
0x8b: {  	s0 =	sand.u32 $0x1, s1  }
0x8c: {  	s18 =	sshll.u32 s0, $0xA;
	s2 =	sadd.s32 s3, s2  }
0x8d: {  	s2 =	sadd.s32 s2, s18  }
0x8e: {  	[smem:$0x3FC7] =	sst s2  }
0x8f: {  	_ = 	snop  }
0x90: {  	s2 =	sld [smem:$0x3FC9]  }
0x91: {  	s19 =	sld [smem:$0x3FD0];
	(tm) =	ssettm $0x1  }
0x92: {  	s4 =	sld [smem:$0x3FFB];
	_ =	sdelay $0x3  }
0x93: {  	_ =	strace s4  }
0x94: {  	s4 =	sld [smem:$0x3FFC];
	_ =	sdelay $0x3  }
0x95: {  	_ =	strace s4  }
0x96: {  	s4 =	sld [smem:$0x3FFD];
	_ =	sdelay $0x3  }
0x97: {  	_ =	strace s4  }
0x98: {  	_ =	strace $0x8FFFFFFF  }
0x99: {  	s20 =	sld [smem:$0x3FDB];
	_ =	sdelay $0x1  }
0x9a: {  	s5 =	simm.s32 $_scs_section_size  }
0x9b: {  	s6 =	simm.s32 $_size__tile_overlayer_lowered;
	s7 =	simm.s32 $_tile_overlayer_lowered  }
0x9c: {  	s23 =	simm.s32 $0x1BFF;
	s22 =	sshll.u32 s7, $0x1;
	s4 =	sadd.s32 s5, s20  }
0x9d: {  	s8 =	simm.s32 $0x0;
	s21 =	sshll.u32 s6, $0x1;
	s6 =	sadd.s32 s22, s4  }
0x9e: {  	[timem:s8], [sflag:s23] =	dma.local [hbm:s6], s21  }
0x9f: {  	_ =	swait.ge [sflag:s23], s21  }
0xa0: {  	s5 =	ssub.s32 $0x0, s21;
	[sflag:s23] =	ssyncset.done $0x0  }
0xa1: {  	[sflag:s23] =	ssyncadd.s32 s5;
	_ =	sdelay $0x1  }
0xa2: {  	s24 =	simm.s32 $0x1B8B  }
0xa3: {  	_ =	swait.ge [sflag:s24], $0x1  }
0xa4: {  	[sflag:s24] =	ssyncset.done $0x0  }
0xa5: {  	s25 =	simm.s32 $0x1B8E;
	[sflag:s24] =	ssyncadd.s32 $0xFFFFFFFF  }
0xa6: {  	s26 =	simm.s32 $execute0_lowered;
	[smem:$0x3FD2] =	sst s25  }
0xa7: {  	s5 =	sshll.u32 s26, $0x1;
	_ =	strace $0x80000046;
	[dreg:$0x1] =	wrdreg $0xFFFFFFFF  }
0xa8: {  	s28 =	simm.s32 $_size_execute0_lowered;
	s4 =	sadd.s32 s4, s5;
	[dreg:$0x0] =	wrdreg $0x0  }
0xa9: {  	s5 =	sshll.u32 s28, $0x1;
	[dreg:$0x2] =	wrdreg s4  }
0xaa: {  	[dreg:$0x3] =	wrdreg s5  }
0xab: {  	[dreg:$0x4] =	wrdreg $0xC0  }
0xac: {  	_ =	task [dreg:s8], $0x5FFFF  }
0xad: {  	[dreg:$0x1] =	wrdreg $0xFFFFFFFF  }
0xae: {  	[dreg:$0x0] =	wrdreg $0x60  }
0xaf: {  	[dreg:$0x2] =	wrdreg s2  }
0xb0: {  	[dreg:$0x3] =	wrdreg s19  }
0xb1: {  	[dreg:$0x4] =	wrdreg $0x9  }
0xb2: {  	_ =	task.clear_ibuf [dreg:s8], $0x5FFFF;
	_ =	strace $0x90000046  }
0xb3: {  	s29 =	simm.s32 $0x9;
	_ =	strace $0x80000048  }
0xb4: {  	_ =	swait.ge [sflag:s29], $0x1  }
0xb5: {  	[sflag:s29] =	ssyncadd.s32 $0xFFFFFFFF  }
0xb6: {  	_ =	strace $0x90000048  }
0xb7: {  	_ =	sfence  }
0xb8: {  	s30 =	sld [smem:$0x0];
	_ =	sdelay $0x2  }
0xb9: {  	s31 =	sshll.u32 s1, $0xD;
	s1 =	sshrl.u32 s1, $0x2  }
0xba: {  	s3 =	sand.u32 $0x4000, s31;
	s1 =	sadd.s32 s1, s30  }
0xbb: {  	s0 =	sor.u32 s3, s0;
	s1 =	sshll.u32 s1, $0x11  }
0xbc: {  	s0 =	sor.u32 s1, s0  }
0xbd: {  	s0 =	sadd.s32 $0x8F2B, s0  }
0xbe: {  	[sflag:s0] =	ssyncadd.remote.s32 $0x1  }
0xbf: {  	_ =	sfence.sel $0xFFFF  }
0xc0: {  	[dreg:$0x0] =	wrdreg $0xFFFFFFFF;
	(pc) =	sbr.abs _section_cstart, $3  }
0xc1: {  	[dreg:$0x1] =	wrdreg $0xFFFFFFFF  }
0xc2: {  	_ =	task.clear_ibuf [dreg:s8], $0x2FFFF;
	_ =	strace $0x9FFFFFFF  }
0xc3: {  	(tm) =	ssettm $0x7FFFFFFF  }
tec
execute0_lowered:
.L_overlay_start_1:
0x0: {  	(tag) =	ssettag $0x1  }
0x1: {  	s1 =	srdreg.scid  }
0x2: {  	s0 =	stileid.u32;
	s31 =	sand.u32 $0x1, s1  }
0x3: {  	s3 =	sshll.u32 s0, $0xD;
	s4 =	sshll.u32 s31, $0xC  }
0x4: {  	s24 =	rddreg [dreg:$0x0];
	s25 =	sor.u32 s4, s3  }
0x5: {  	s30 =	rddreg [dreg:$0x1];
	s2 =	simm.s32 $0x0;
	s16 =	sor.u32 $0x40000, s25  }
0x6: {  	[smem:$0x7FF] =	sst s2;
	s26 =	sadd.s32 s24, s16  }
0x7: {  	_ =	strace $0x80000047;
	[dreg:$0x3] =	wrdreg s26  }
0x8: {  	s19 =	sor.u32 $0x60000, s25;
	s3 =	rddreg [dreg:$0x3]  }
0x9: {  	[tilespmem:s2], [sflag:$0x1] =	stream.linear.gather [hbm4b:s3+s2], $0x8000, $0x38;
	[tilespmem:$0x18000] =	vst v63  }
0xa: {  	s4 =	simm.s32 $0x8000;
	s21 =	sor.u32 $0x80000, s25;
	s3 =	sadd.s32 s24, s19  }
0xb: {  	[tilespmem:s4], [sflag:$0x2] =	stream.linear.gather [hbm4b:s3+s2], $0x8000, $0x38;
	[tilespmem:$0x18000] =	vst v63  }
0xc: {  	s6 =	simm.s32 $0x10000;
	s7 =	simm.s32 $0x1;
	s5 =	sadd.s32 s24, s21  }
0xd: {  	[tilespmem:s6], [sflag:$0x3] =	stream.linear.gather [hbm4b:s5+s2], $0x8000, $0x38;
	[tilespmem:$0x18000] =	vst v63  }
0xe: {  	_ =	swait.ge [sflag:s7], $0x8000  }
0xf: {  	[sflag:s7] =	ssyncset.done $0x0  }
0x10: {  	s8 =	simm.s32 $0x4;
	s9 =	sadd.s32 s30, s25;
	[sflag:s7] =	ssyncadd.s32 $0xFFFF8000  }
0x11: {  	[hbm4b:s9+s2] =	stream.linear.scatter [tilespmem:s2], [sflag:$0x4], $0x8000, $0x38;
	[tilespmem:$0x18000] =	vst v63  }
0x12: {  	_ =	swait.ge [sflag:s8], $0x8000  }
0x13: {  	s23 =	sor.u32 $0xA0000, s25;
	[sflag:s8] =	ssyncset.done $0x0  }
0x14: {  	s11 =	simm.s32 $0x2;
	s10 =	sadd.s32 s24, s23;
	[sflag:s8] =	ssyncadd.s32 $0xFFFF8000  }
0x15: {  	[tilespmem:s2], [sflag:$0x1] =	stream.linear.gather [hbm4b:s10+s2], $0x8000, $0x38;
	[tilespmem:$0x18000] =	vst v63  }
0x16: {  	_ =	swait.ge [sflag:s11], $0x8000  }
0x17: {  	[sflag:s11] =	ssyncset.done $0x0  }
0x18: {  	s13 =	simm.s32 $0x5;
	s12 =	sadd.s32 $0x20000, s9;
	[sflag:s11] =	ssyncadd.s32 $0xFFFF8000  }
0x19: {  	[hbm4b:s12+s2] =	stream.linear.scatter [tilespmem:s4], [sflag:$0x5], $0x8000, $0x38;
	[tilespmem:$0x18000] =	vst v63  }
0x1a: {  	_ =	swait.ge [sflag:s13], $0x8000  }
0x1b: {  	s26 =	sor.u32 $0xC0000, s25;
	[sflag:s13] =	ssyncset.done $0x0  }
0x1c: {  	s15 =	simm.s32 $0x3;
	s14 =	sadd.s32 s24, s26;
	[sflag:s13] =	ssyncadd.s32 $0xFFFF8000  }
0x1d: {  	[tilespmem:s4], [sflag:$0x2] =	stream.linear.gather [hbm4b:s14+s2], $0x8000, $0x38;
	[tilespmem:$0x18000] =	vst v63  }
0x1e: {  	_ =	swait.ge [sflag:s15], $0x8000  }
0x1f: {  	[sflag:s15] =	ssyncset.done $0x0  }
0x20: {  	s17 =	simm.s32 $0x6;
	s16 =	sadd.s32 s30, s16;
	[sflag:s15] =	ssyncadd.s32 $0xFFFF8000  }
0x21: {  	[hbm4b:s16+s2] =	stream.linear.scatter [tilespmem:s6], [sflag:$0x6], $0x8000, $0x38;
	[tilespmem:$0x18000] =	vst v63  }
0x22: {  	_ =	swait.ge [sflag:s17], $0x8000  }
0x23: {  	s28 =	sor.u32 $0xE0000, s25;
	[sflag:s17] =	ssyncset.done $0x0  }
0x24: {  	s18 =	sadd.s32 s24, s28;
	[sflag:s17] =	ssyncadd.s32 $0xFFFF8000  }
0x25: {  	[tilespmem:s6], [sflag:$0x3] =	stream.linear.gather [hbm4b:s18+s2], $0x8000, $0x38;
	[tilespmem:$0x18000] =	vst v63  }
0x26: {  	_ =	swait.ge [sflag:s7], $0x8000  }
0x27: {  	[sflag:s7] =	ssyncset.done $0x0  }
0x28: {  	s19 =	sadd.s32 s30, s19;
	[sflag:s7] =	ssyncadd.s32 $0xFFFF8000  }
0x29: {  	[hbm4b:s19+s2] =	stream.linear.scatter [tilespmem:s2], [sflag:$0x4], $0x8000, $0x38;
	[tilespmem:$0x18000] =	vst v63  }
0x2a: {  	_ =	swait.ge [sflag:s8], $0x8000  }
0x2b: {  	s29 =	sor.u32 $0x100000, s25;
	[sflag:s8] =	ssyncset.done $0x0  }
0x2c: {  	s20 =	sadd.s32 s24, s29;
	[sflag:s8] =	ssyncadd.s32 $0xFFFF8000  }
0x2d: {  	[tilespmem:s2], [sflag:$0x1] =	stream.linear.gather [hbm4b:s20+s2], $0x8000, $0x38;
	[tilespmem:$0x18000] =	vst v63  }
0x2e: {  	_ =	swait.ge [sflag:s11], $0x8000  }
0x2f: {  	[sflag:s11] =	ssyncset.done $0x0  }
0x30: {  	s21 =	sadd.s32 s30, s21;
	[sflag:s11] =	ssyncadd.s32 $0xFFFF8000  }
0x31: {  	[hbm4b:s21+s2] =	stream.linear.scatter [tilespmem:s4], [sflag:$0x5], $0x8000, $0x38;
	[tilespmem:$0x18000] =	vst v63  }
0x32: {  	_ =	swait.ge [sflag:s13], $0x8000  }
0x33: {  	s1 =	sor.u32 $0x120000, s25;
	[sflag:s13] =	ssyncset.done $0x0  }
0x34: {  	s22 =	sadd.s32 s24, s1;
	[sflag:s13] =	ssyncadd.s32 $0xFFFF8000  }
0x35: {  	[tilespmem:s4], [sflag:$0x2] =	stream.linear.gather [hbm4b:s22+s2], $0x8000, $0x38;
	[tilespmem:$0x18000] =	vst v63  }
0x36: {  	_ =	swait.ge [sflag:s15], $0x8000  }
0x37: {  	[sflag:s15] =	ssyncset.done $0x0  }
0x38: {  	s23 =	sadd.s32 s30, s23;
	[sflag:s15] =	ssyncadd.s32 $0xFFFF8000  }
0x39: {  	[hbm4b:s23+s2] =	stream.linear.scatter [tilespmem:s6], [sflag:$0x6], $0x8000, $0x38;
	[tilespmem:$0x18000] =	vst v63  }
0x3a: {  	_ =	swait.ge [sflag:s17], $0x8000  }
0x3b: {  	s0 =	sadd.s32 s25, s24;
	[sflag:s17] =	ssyncset.done $0x0  }
0x3c: {  	s24 =	sadd.s32 $0x140000, s0;
	[sflag:s17] =	ssyncadd.s32 $0xFFFF8000  }
0x3d: {  	[tilespmem:s6], [sflag:$0x3] =	stream.linear.gather [hbm4b:s24+s2], $0x8000, $0x38;
	[tilespmem:$0x18000] =	vst v63  }
0x3e: {  	_ =	swait.ge [sflag:s7], $0x8000  }
0x3f: {  	[sflag:s7] =	ssyncset.done $0x0  }
0x40: {  	s25 =	sadd.s32 s30, s26;
	[sflag:s7] =	ssyncadd.s32 $0xFFFF8000  }
0x41: {  	[hbm4b:s25+s2] =	stream.linear.scatter [tilespmem:s2], [sflag:$0x4], $0x8000, $0x38;
	[tilespmem:$0x18000] =	vst v63  }
0x42: {  	_ =	swait.ge [sflag:s8], $0x8000  }
0x43: {  	[sflag:s8] =	ssyncset.done $0x0  }
0x44: {  	s26 =	sadd.s32 $0x160000, s0;
	[sflag:s8] =	ssyncadd.s32 $0xFFFF8000  }
0x45: {  	[tilespmem:s2], [sflag:$0x1] =	stream.linear.gather [hbm4b:s26+s2], $0x8000, $0x38;
	[tilespmem:$0x18000] =	vst v63  }
0x46: {  	_ =	swait.ge [sflag:s11], $0x8000  }
0x47: {  	[sflag:s11] =	ssyncset.done $0x0  }
0x48: {  	s28 =	sadd.s32 s30, s28;
	[sflag:s11] =	ssyncadd.s32 $0xFFFF8000  }
0x49: {  	[hbm4b:s28+s2] =	stream.linear.scatter [tilespmem:s4], [sflag:$0x5], $0x8000, $0x38;
	[tilespmem:$0x18000] =	vst v63  }
0x4a: {  	_ =	swait.ge [sflag:s15], $0x8000  }
0x4b: {  	[sflag:s15] =	ssyncset.done $0x0  }
0x4c: {  	s29 =	sadd.s32 s30, s29;
	[sflag:s15] =	ssyncadd.s32 $0xFFFF8000  }
0x4d: {  	[hbm4b:s29+s2] =	stream.linear.scatter [tilespmem:s6], [sflag:$0x6], $0x8000, $0x38;
	[tilespmem:$0x18000] =	vst v63  }
0x4e: {  	s0 =	ssub.s32 $0x2, s31;
	_ =	swait.ge [sflag:s7], $0x8000  }
0x4f: {  	s30 =	sadd.s32 s30, s1;
	s1 =	sshrl.u32 s0, $0x1;
	[sflag:s7] =	ssyncset.done $0x0  }
0x50: {  	s0 =	ssub.s32 s0, s1;
	[sflag:s7] =	ssyncadd.s32 $0xFFFF8000  }
0x51: {  	[hbm4b:s30+s2] =	stream.linear.scatter [tilespmem:s2], [sflag:$0x4], $0x8000, $0x38;
	[tilespmem:$0x18000] =	vst v63  }
0x52: {  	s0 =	smax.u32 s0, $0x1;
	_ =	swait.ge [sflag:s13], $0x8000  }
0x53: {  	p0 =	sne.s32 s0, $0x1;
	[sflag:s13] =	ssyncset.done $0x0  }
.Ltmp0:
0x54: {  	[sflag:s13] =	ssyncadd.s32 $0xFFFF8000;
	(pc) =	sbr.rel @!p0 .LBB2_2-.Ltmp0, $4  }
0x55: {  	_ =	swait.ge [sflag:s17], $0x8000  }
0x56: {  	[sflag:s17] =	ssyncset.done $0x0  }
0x57: {  	[sflag:s17] =	ssyncadd.s32 $0xFFFF8000  }
0x58: {  	s31 =	sadd.s32 $0xFFFFFFFF, s0;
	_ =	swait.ge [sflag:s8], $0x8000  }
.LBB2_1:
0x59: {  	[sflag:s8] =	ssyncset.done $0x0  }
0x5a: {  	s0 =	rddreg [dreg:$0x3];
	[sflag:s8] =	ssyncadd.s32 $0xFFFF8000  }
0x5b: {  	[tilespmem:s2], [sflag:$0x1] =	stream.linear.gather [hbm4b:s0+s2], $0x8000, $0x38;
	[tilespmem:$0x18000] =	vst v63  }
0x5c: {  	_ = 	snop  }
0x5d: {  	[tilespmem:s4], [sflag:$0x2] =	stream.linear.gather [hbm4b:s3+s2], $0x8000, $0x38;
	[tilespmem:$0x18000] =	vst v63  }
0x5e: {  	_ = 	snop  }
0x5f: {  	[tilespmem:s6], [sflag:$0x3] =	stream.linear.gather [hbm4b:s5+s2], $0x8000, $0x38;
	[tilespmem:$0x18000] =	vst v63  }
0x60: {  	_ =	swait.ge [sflag:s7], $0x8000  }
0x61: {  	[sflag:s7] =	ssyncset.done $0x0  }
0x62: {  	[sflag:s7] =	ssyncadd.s32 $0xFFFF8000  }
0x63: {  	[hbm4b:s9+s2] =	stream.linear.scatter [tilespmem:s2], [sflag:$0x4], $0x8000, $0x38;
	[tilespmem:$0x18000] =	vst v63  }
0x64: {  	_ =	swait.ge [sflag:s8], $0x8000  }
0x65: {  	[sflag:s8] =	ssyncset.done $0x0  }
0x66: {  	[sflag:s8] =	ssyncadd.s32 $0xFFFF8000  }
0x67: {  	[tilespmem:s2], [sflag:$0x1] =	stream.linear.gather [hbm4b:s10+s2], $0x8000, $0x38;
	[tilespmem:$0x18000] =	vst v63  }
0x68: {  	_ =	swait.ge [sflag:s11], $0x8000  }
0x69: {  	[sflag:s11] =	ssyncset.done $0x0  }
0x6a: {  	[sflag:s11] =	ssyncadd.s32 $0xFFFF8000  }
0x6b: {  	[hbm4b:s12+s2] =	stream.linear.scatter [tilespmem:s4], [sflag:$0x5], $0x8000, $0x38;
	[tilespmem:$0x18000] =	vst v63  }
0x6c: {  	_ =	swait.ge [sflag:s13], $0x8000  }
0x6d: {  	[sflag:s13] =	ssyncset.done $0x0  }
0x6e: {  	[sflag:s13] =	ssyncadd.s32 $0xFFFF8000  }
0x6f: {  	[tilespmem:s4], [sflag:$0x2] =	stream.linear.gather [hbm4b:s14+s2], $0x8000, $0x38;
	[tilespmem:$0x18000] =	vst v63  }
0x70: {  	_ =	swait.ge [sflag:s15], $0x8000  }
0x71: {  	[sflag:s15] =	ssyncset.done $0x0  }
0x72: {  	[sflag:s15] =	ssyncadd.s32 $0xFFFF8000  }
0x73: {  	[hbm4b:s16+s2] =	stream.linear.scatter [tilespmem:s6], [sflag:$0x6], $0x8000, $0x38;
	[tilespmem:$0x18000] =	vst v63  }
0x74: {  	_ =	swait.ge [sflag:s17], $0x8000  }
0x75: {  	[sflag:s17] =	ssyncset.done $0x0  }
0x76: {  	[sflag:s17] =	ssyncadd.s32 $0xFFFF8000  }
0x77: {  	[tilespmem:s6], [sflag:$0x3] =	stream.linear.gather [hbm4b:s18+s2], $0x8000, $0x38;
	[tilespmem:$0x18000] =	vst v63  }
0x78: {  	_ =	swait.ge [sflag:s7], $0x8000  }
0x79: {  	[sflag:s7] =	ssyncset.done $0x0  }
0x7a: {  	[sflag:s7] =	ssyncadd.s32 $0xFFFF8000  }
0x7b: {  	[hbm4b:s19+s2] =	stream.linear.scatter [tilespmem:s2], [sflag:$0x4], $0x8000, $0x38;
	[tilespmem:$0x18000] =	vst v63  }
0x7c: {  	_ =	swait.ge [sflag:s8], $0x8000  }
0x7d: {  	[sflag:s8] =	ssyncset.done $0x0  }
0x7e: {  	[sflag:s8] =	ssyncadd.s32 $0xFFFF8000  }
0x7f: {  	[tilespmem:s2], [sflag:$0x1] =	stream.linear.gather [hbm4b:s20+s2], $0x8000, $0x38;
	[tilespmem:$0x18000] =	vst v63  }
0x80: {  	_ =	swait.ge [sflag:s11], $0x8000  }
0x81: {  	[sflag:s11] =	ssyncset.done $0x0  }
0x82: {  	[sflag:s11] =	ssyncadd.s32 $0xFFFF8000  }
0x83: {  	[hbm4b:s21+s2] =	stream.linear.scatter [tilespmem:s4], [sflag:$0x5], $0x8000, $0x38;
	[tilespmem:$0x18000] =	vst v63  }
0x84: {  	_ =	swait.ge [sflag:s13], $0x8000  }
0x85: {  	[sflag:s13] =	ssyncset.done $0x0  }
0x86: {  	[sflag:s13] =	ssyncadd.s32 $0xFFFF8000  }
0x87: {  	[tilespmem:s4], [sflag:$0x2] =	stream.linear.gather [hbm4b:s22+s2], $0x8000, $0x38;
	[tilespmem:$0x18000] =	vst v63  }
0x88: {  	_ =	swait.ge [sflag:s15], $0x8000  }
0x89: {  	[sflag:s15] =	ssyncset.done $0x0  }
0x8a: {  	[sflag:s15] =	ssyncadd.s32 $0xFFFF8000  }
0x8b: {  	[hbm4b:s23+s2] =	stream.linear.scatter [tilespmem:s6], [sflag:$0x6], $0x8000, $0x38;
	[tilespmem:$0x18000] =	vst v63  }
0x8c: {  	_ =	swait.ge [sflag:s17], $0x8000  }
0x8d: {  	[sflag:s17] =	ssyncset.done $0x0  }
0x8e: {  	[sflag:s17] =	ssyncadd.s32 $0xFFFF8000  }
0x8f: {  	[tilespmem:s6], [sflag:$0x3] =	stream.linear.gather [hbm4b:s24+s2], $0x8000, $0x38;
	[tilespmem:$0x18000] =	vst v63  }
0x90: {  	_ =	swait.ge [sflag:s7], $0x8000  }
0x91: {  	[sflag:s7] =	ssyncset.done $0x0  }
0x92: {  	[sflag:s7] =	ssyncadd.s32 $0xFFFF8000  }
0x93: {  	[hbm4b:s25+s2] =	stream.linear.scatter [tilespmem:s2], [sflag:$0x4], $0x8000, $0x38;
	[tilespmem:$0x18000] =	vst v63  }
0x94: {  	_ =	swait.ge [sflag:s8], $0x8000  }
0x95: {  	[sflag:s8] =	ssyncset.done $0x0  }
0x96: {  	[sflag:s8] =	ssyncadd.s32 $0xFFFF8000  }
0x97: {  	[tilespmem:s2], [sflag:$0x1] =	stream.linear.gather [hbm4b:s26+s2], $0x8000, $0x38;
	[tilespmem:$0x18000] =	vst v63  }
0x98: {  	_ =	swait.ge [sflag:s11], $0x8000  }
0x99: {  	[sflag:s11] =	ssyncset.done $0x0  }
0x9a: {  	[sflag:s11] =	ssyncadd.s32 $0xFFFF8000  }
0x9b: {  	[hbm4b:s28+s2] =	stream.linear.scatter [tilespmem:s4], [sflag:$0x5], $0x8000, $0x38;
	[tilespmem:$0x18000] =	vst v63  }
0x9c: {  	_ =	swait.ge [sflag:s15], $0x8000  }
0x9d: {  	[sflag:s15] =	ssyncset.done $0x0  }
0x9e: {  	[sflag:s15] =	ssyncadd.s32 $0xFFFF8000  }
0x9f: {  	[hbm4b:s29+s2] =	stream.linear.scatter [tilespmem:s6], [sflag:$0x6], $0x8000, $0x38;
	[tilespmem:$0x18000] =	vst v63  }
0xa0: {  	_ =	swait.ge [sflag:s7], $0x8000  }
0xa1: {  	[sflag:s7] =	ssyncset.done $0x0  }
0xa2: {  	[sflag:s7] =	ssyncadd.s32 $0xFFFF8000  }
0xa3: {  	[hbm4b:s30+s2] =	stream.linear.scatter [tilespmem:s2], [sflag:$0x4], $0x8000, $0x38;
	[tilespmem:$0x18000] =	vst v63  }
0xa4: {  	_ =	swait.ge [sflag:s13], $0x8000  }
0xa5: {  	p0 =	sne.s32 s31, $0x1;
	[sflag:s13] =	ssyncset.done $0x0  }
.Ltmp1:
0xa6: {  	[sflag:s13] =	ssyncadd.s32 $0xFFFF8000;
	(pc) =	sbr.rel @p0 .LBB2_1-.Ltmp1, $4  }
0xa7: {  	_ =	swait.ge [sflag:s17], $0x8000  }
0xa8: {  	[sflag:s17] =	ssyncset.done $0x0  }
0xa9: {  	[sflag:s17] =	ssyncadd.s32 $0xFFFF8000  }
0xaa: {  	s31 =	sadd.s32 $0xFFFFFFFF, s31;
	_ =	swait.ge [sflag:s8], $0x8000  }
.LBB2_2:
0xab: {  	[sflag:s8] =	ssyncset.done $0x0  }
0xac: {  	[sflag:s8] =	ssyncadd.s32 $0xFFFF8000  }
0xad: {  	_ =	sfence.sel $0x180000  }
0xae: {  	[bflag:$0x0] =	sbarrier.arrive $0xFFFF  }
0xaf: {  	_ =	strace $0x90000047  }
0xb0: {  	s0 =	stileid.u32;
	[bflag:$0x2] =	sbarrier.arrive $0xFFFF  }
0xb1: {  	p0 =	sne.s32 s0, $0x0;
	s0 =	rddreg [dreg:$0x2]  }
0xb2: {  	s0 =	sadd.s32 @!p0 $0x100000, s0  }
0xb3: {  	[sflag:s0] =	ssyncadd.tile.s32 @!p0 $0x1;
	_ =	shalt  }
.Lfunc_end2:
_tile_overlayer_lowered:
.L_overlay_start_2:
0xb4: {  	(tag) =	ssettag $0x2  }
0xb5: {  	s0 =	rddreg [dreg:$0x0];
	s2 =	stileid.u32  }
0xb6: {  	s1 =	rddreg [dreg:$0x1];
	p0 =	sne.s32 s2, $0x0  }
0xb7: {  	s3 =	rddreg [dreg:$0x2];
	[bflag:$0x3] =	sbarrier.arrive $0xFFFF;
	s2 =	simm.s32 @!p0 $0x1C07  }
0xb8: {  	[timem:s3], [sflag:s2] =	dma.local @!p0 [hbm:s0], s1  }
0xb9: {  	s0 =	simm.s32 @!p0 $0x7  }
0xba: {  	_ =	swait.ge @!p0 [sflag:s0], s1  }
0xbb: {  	s1 =	ssub.s32 @!p0 $0x0, s1;
	[sflag:s0] =	ssyncset.done @!p0 $0x0  }
0xbc: {  	[sflag:s0] =	ssyncadd.s32 @!p0 s1  }
0xbd: {  	[bflag:$0x3] =	sbarrier.arrive $0xFFFF  }
0xbe: {  	_ =	shalt  }

</sc_bundles>
